<compile_context>
chip_gen: v7x
topology: tpu7x:2x2x1
jax: 0.10.2.dev20260603
libtpu: 0.0.44.dev20260713+nightly
codegen_flags: <defaults>
</compile_context>

<pallas_src>
import functools

import jax
import jax.numpy as jnp
from jax import lax
from jax.experimental import pallas as pl
from jax.experimental.pallas import tpu as pltpu
from jax.experimental.pallas import tpu_sc as plsc

N = 10000
D = 128
G = 64
NC = 2
NS = 16
NW = NC * NS
CHUNK = 128
NPAD = 10112
STRIPE = NPAD // NS


def _make_agg(n_chunks):
    mesh = plsc.VectorSubcoreMesh(
        core_axis_name="c", subcore_axis_name="s",
        num_cores=NC, num_subcores=NS)

    @functools.partial(
        pl.kernel,
        out_type=jax.ShapeDtypeStruct((NC, NPAD, D), jnp.float32),
        mesh=mesh,
        scratch_types=[
            pltpu.VMEM((2, CHUNK), jnp.int32),
            pltpu.VMEM((CHUNK, D), jnp.float32),
            pltpu.VMEM_SHARED((NPAD, D), jnp.float32),
            pltpu.SemaphoreType.DMA,
        ],
    )
    def agg(h_hbm, idx_hbm, zeros_hbm, out_hbm,
            idx_v, rows_v, agg_sh, gsem):
        c = lax.axis_index("c")
        s = lax.axis_index("s")
        row0 = s * STRIPE
        pltpu.sync_copy(zeros_hbm.at[pl.ds(row0, STRIPE)],
                        agg_sh.at[pl.ds(row0, STRIPE)])
        plsc.subcore_barrier()

        wid = s * NC + c
        base0 = wid * n_chunks

        def body(j, carry):
            pltpu.sync_copy(idx_hbm.at[base0 + j], idx_v)
            pltpu.async_copy(h_hbm.at[idx_v.at[0]], rows_v, gsem).wait()
            pltpu.sync_copy(rows_v, agg_sh.at[idx_v.at[1]], add=True)
            return carry

        lax.fori_loop(0, n_chunks, body, 0)
        plsc.subcore_barrier()
        pltpu.sync_copy(agg_sh.at[pl.ds(row0, STRIPE)],
                        out_hbm.at[c, pl.ds(row0, STRIPE)])

    return agg


def _mlp_body(h_ref, pa_ref, w1_ref, b1_ref, g_ref, be_ref,
              w2_ref, b2_ref, o_ref):
    z = h_ref[...] + pa_ref[0, :N] + pa_ref[1, :N]
    a = jnp.dot(z, w1_ref[...], preferred_element_type=jnp.float32) + b1_ref[...]
    mean = jnp.mean(a, axis=0, keepdims=True)
    cent = a - mean
    var = jnp.mean(cent * cent, axis=0, keepdims=True)
    an = g_ref[...] * cent * lax.rsqrt(var + 1e-5) + be_ref[...]
    r = jnp.maximum(an, 0.0)
    o_ref[...] = jnp.maximum(
        jnp.dot(r, w2_ref[...], preferred_element_type=jnp.float32) + b2_ref[...],
        0.0)


def _final_body(h_ref, pa_ref, w1_ref, b1_ref, g_ref, be_ref,
                w2_ref, b2_ref, batch_ref, hw1_ref, hb1_ref, hw2_ref,
                hb2_ref, o_ref):
    z = h_ref[...] + pa_ref[0, :N] + pa_ref[1, :N]
    a = jnp.dot(z, w1_ref[...], preferred_element_type=jnp.float32) + b1_ref[...]
    mean = jnp.mean(a, axis=0, keepdims=True)
    cent = a - mean
    var = jnp.mean(cent * cent, axis=0, keepdims=True)
    an = g_ref[...] * cent * lax.rsqrt(var + 1e-5) + be_ref[...]
    r = jnp.maximum(an, 0.0)
    h2 = jnp.maximum(
        jnp.dot(r, w2_ref[...], preferred_element_type=jnp.float32) + b2_ref[...],
        0.0)
    gids = lax.broadcasted_iota(jnp.int32, (G, N), 0)
    onehot = (gids == batch_ref[...]).astype(jnp.float32)
    pooled = jnp.dot(onehot, h2, preferred_element_type=jnp.float32)
    t = jnp.maximum(
        jnp.dot(pooled, hw1_ref[...], preferred_element_type=jnp.float32)
        + hb1_ref[...], 0.0)
    o_ref[...] = (jnp.dot(t, hw2_ref[...], preferred_element_type=jnp.float32)
                  + hb2_ref[...])


def _mlp_call(h, pa, w1, b1, g, be, w2, b2):
    return pl.pallas_call(
        _mlp_body,
        out_shape=jax.ShapeDtypeStruct((N, D), jnp.float32),
    )(h, pa, w1, b1.reshape(1, -1), g.reshape(1, -1),
      be.reshape(1, -1), w2, b2.reshape(1, -1))


def _final_call(h, pa, w1, b1, g, be, w2, b2, batch, hw1, hb1, hw2, hb2):
    return pl.pallas_call(
        _final_body,
        out_shape=jax.ShapeDtypeStruct((G, hw2.shape[1]), jnp.float32),
    )(h, pa, w1, b1.reshape(1, -1), g.reshape(1, -1),
      be.reshape(1, -1), w2, b2.reshape(1, -1),
      batch.astype(jnp.int32).reshape(1, -1),
      hw1, hb1.reshape(1, -1), hw2, hb2.reshape(1, -1))


def kernel(x, edge_index, batch,
           l0_W1, l0_b1, l0_gamma, l0_beta, l0_W2, l0_b2,
           l1_W1, l1_b1, l1_gamma, l1_beta, l1_W2, l1_b2,
           l2_W1, l2_b1, l2_gamma, l2_beta, l2_W2, l2_b2,
           head_W1, head_b1, head_W2, head_b2):
    src = edge_index[0].astype(jnp.int32)
    dst = edge_index[1].astype(jnp.int32)
    e = src.shape[0]
    per = NW * CHUNK
    e_pad = ((e + per - 1) // per) * per
    n_chunks = e_pad // (NW * CHUNK)
    pad = e_pad - e
    if pad:
        src = jnp.concatenate([src, jnp.zeros((pad,), jnp.int32)])
        dst = jnp.concatenate([dst, jnp.full((pad,), N, jnp.int32)])
    idx = jnp.stack([src.reshape(-1, CHUNK), dst.reshape(-1, CHUNK)], axis=1)
    zeros = jnp.zeros((NPAD, D), jnp.float32)
    agg_fn = _make_agg(n_chunks)

    layers = [
        (l0_W1, l0_b1, l0_gamma, l0_beta, l0_W2, l0_b2),
        (l1_W1, l1_b1, l1_gamma, l1_beta, l1_W2, l1_b2),
        (l2_W1, l2_b1, l2_gamma, l2_beta, l2_W2, l2_b2),
    ]
    h = x
    for layer in range(2):
        w1, b1, g, be, w2, b2 = layers[layer]
        pa = agg_fn(h, idx, zeros)
        h = _mlp_call(h, pa, w1, b1, g, be, w2, b2)
    w1, b1, g, be, w2, b2 = layers[2]
    pa = agg_fn(h, idx, zeros)
    return _final_call(h, pa, w1, b1, g, be, w2, b2,
                       batch, head_W1, head_b1, head_W2, head_b2)

# --- scband reference (transcript-rebuilt; emitter-appended) ---
"""Pipeline reference for scband-net-53163105190632 (READ-ONLY COPY).

The authoritative reference and input builder live on the scoring server;
editing this copy changes nothing except your own understanding.
"""

import jax, jax.numpy as jnp
import numpy as np

N = 10000
E = 320000
D = 128
H = 128
OUT = 10
G = 64


def _init_lin(key, fan_in, fan_out):
    return jax.random.normal(key, (fan_in, fan_out), dtype=jnp.float32) / np.sqrt(fan_in)


def setup_inputs(seed: int = 0):
    key = jax.random.key(seed)
    ks = jax.random.split(key, 16)
    inp = {}
    inp['x'] = jax.random.normal(ks[0], (N, D), dtype=jnp.float32)
    inp['edge_index'] = jax.random.randint(ks[1], (2, E), 0, N)
    inp['batch'] = jnp.sort(jax.random.randint(ks[2], (N,), 0, G))
    ki = 3
    for l in range(3):
        fin = D if l == 0 else H
        inp['l%d_W1' % l] = _init_lin(ks[ki], fin, H); ki += 1
        inp['l%d_b1' % l] = jnp.zeros((H,), dtype=jnp.float32)
        inp['l%d_gamma' % l] = jnp.ones((H,), dtype=jnp.float32)
        inp['l%d_beta' % l] = jnp.zeros((H,), dtype=jnp.float32)
        inp['l%d_W2' % l] = _init_lin(ks[ki], H, H); ki += 1
        inp['l%d_b2' % l] = jnp.zeros((H,), dtype=jnp.float32)
    inp['head_W1'] = _init_lin(ks[ki], H, H); ki += 1
    inp['head_b1'] = jnp.zeros((H,), dtype=jnp.float32)
    inp['head_W2'] = _init_lin(ks[ki], H, OUT); ki += 1
    inp['head_b2'] = jnp.zeros((OUT,), dtype=jnp.float32)
    return inp


def _gin_mlp(h, W1, b1, g, be, W2, b2):
    # PyG MLP([in, hid, hid]): lin -> batch_norm -> relu -> lin (plain last)
    h = h @ W1 + b1
    mean = jnp.mean(h, axis=0)
    var = jnp.var(h, axis=0)
    h = g * (h - mean) / jnp.sqrt(var + 1e-5) + be
    h = jax.nn.relu(h)
    return h @ W2 + b2


def reference(x, edge_index, batch,
              l0_W1, l0_b1, l0_gamma, l0_beta, l0_W2, l0_b2,
              l1_W1, l1_b1, l1_gamma, l1_beta, l1_W2, l1_b2,
              l2_W1, l2_b1, l2_gamma, l2_beta, l2_W2, l2_b2,
              head_W1, head_b1, head_W2, head_b2):
    src = edge_index[0]
    dst = edge_index[1]
    layers = [
        (l0_W1, l0_b1, l0_gamma, l0_beta, l0_W2, l0_b2),
        (l1_W1, l1_b1, l1_gamma, l1_beta, l1_W2, l1_b2),
        (l2_W1, l2_b1, l2_gamma, l2_beta, l2_W2, l2_b2),
    ]
    h = x
    for (W1, b1, g, be, W2, b2) in layers:
        # GINConv with eps=0: nn((1+eps)*x_i + sum_{j->i} x_j)
        agg = jax.ops.segment_sum(h[src], dst, num_segments=N)
        h = jax.nn.relu(_gin_mlp(h + agg, W1, b1, g, be, W2, b2))
    # global_add_pool
    pooled = jax.ops.segment_sum(h, batch, num_segments=G)
    # final MLP (norm=None, dropout inactive at eval): lin -> relu -> lin
    z = jax.nn.relu(pooled @ head_W1 + head_b1)
    return z @ head_W2 + head_b2

if __name__ == "__main__":
    import jax
    _d = setup_inputs()
    print(jax.jit(kernel)(*tuple(_d.values())))

</pallas_src>

<mosaic_0001>
#map = affine_map<(d0, d1) -> (0, 0)>
#map1 = affine_map<(d0, d1) -> (0, 0, 0)>
module attributes {stable_mosaic.version = 14 : i64} {
  func.func @agg(%arg0: i32, %arg1: i32, %arg2: memref<10000x128xf32, #tpu.memory_space<hbm>>, %arg3: memref<2528x2x128xi32, #tpu.memory_space<hbm>>, %arg4: memref<10112x128xf32, #tpu.memory_space<hbm>>, %arg5: memref<2x10112x128xf32, #tpu.memory_space<hbm>>, %arg6: memref<2x128xi32, #tpu.memory_space<vmem>>, %arg7: memref<128x128xf32, #tpu.memory_space<vmem>>, %arg8: memref<10112x128xf32, #tpu.memory_space<vmem_shared>>, %arg9: memref<!tpu.dma_semaphore, #tpu.memory_space<semaphore_mem>>) attributes {dimension_semantics = [#tpu.dimension_semantics<core_parallel>, #tpu.dimension_semantics<subcore_parallel>], iteration_bounds = array<i64: 2, 16>, scalar_prefetch = 0 : i64, scratch_operands = 4 : i64, tpu.core_type = #tpu.core_type<sc_vector_subcore>, window_params = [{transform_indices = #map}, {transform_indices = #map1}, {transform_indices = #map}, {transform_indices = #map1}]} {
    %mul3A = arith.constant 632 : i32
    %mul3A_0 = arith.muli %arg1, %mul3A : i32
    "tpu.region"() ({
      %run_scoped3A = tpu.sem_alloc : memref<!tpu.dma_semaphore, #tpu.memory_space<semaphore_mem>>
      %dma_start3A = arith.constant 0 : i32
      %dma_start3A_11 = tpu.memref_slice %arg8[%mul3A_0, %dma_start3A] : memref<10112x128xf32, #tpu.memory_space<vmem_shared>> -> memref<632x128xf32, #tpu.memory_space<vmem_shared>>
      %dma_start3A_12 = arith.constant 0 : i32
      %dma_start3A_13 = tpu.memref_slice %arg4[%mul3A_0, %dma_start3A_12] : memref<10112x128xf32, #tpu.memory_space<hbm>> -> memref<632x128xf32, #tpu.memory_space<hbm>>
      tpu.enqueue_dma source(%dma_start3A_13 : memref<632x128xf32, #tpu.memory_space<hbm>>) target(%dma_start3A_11 : memref<632x128xf32, #tpu.memory_space<vmem_shared>>) target_semaphore(%run_scoped3A : memref<!tpu.dma_semaphore, #tpu.memory_space<semaphore_mem>>)
      %dma_wait3A = arith.constant 0 : i32
      %dma_wait3A_14 = tpu.memref_slice %arg8[%mul3A_0, %dma_wait3A] : memref<10112x128xf32, #tpu.memory_space<vmem_shared>> -> memref<632x128xf32, #tpu.memory_space<vmem_shared>>
      %dma_wait3A_15 = arith.constant 0 : i32
      %dma_wait3A_16 = tpu.memref_slice %arg4[%mul3A_0, %dma_wait3A_15] : memref<10112x128xf32, #tpu.memory_space<hbm>> -> memref<632x128xf32, #tpu.memory_space<hbm>>
      tpu.wait_dma2 semaphore(%run_scoped3A : memref<!tpu.dma_semaphore, #tpu.memory_space<semaphore_mem>>) src(%dma_wait3A_16 : memref<632x128xf32, #tpu.memory_space<hbm>>) dst(%dma_wait3A_14 : memref<632x128xf32, #tpu.memory_space<vmem_shared>>)
      tpu.yield
    }) : () -> ()
    %barrier3A = arith.constant 0 : index
    tpu.barrier barrier_id(%barrier3A)
    %mul3A_1 = arith.constant 2 : i32
    %mul3A_2 = arith.muli %arg1, %mul3A_1 : i32
    %add3A = arith.addi %mul3A_2, %arg0 : i32
    %mul3A_3 = arith.constant 79 : i32
    %mul3A_4 = arith.muli %add3A, %mul3A_3 : i32
    %scan3A = arith.constant 0 : i32
    %scan3A_5 = arith.constant 0 : i32
    %scan3A_6 = arith.constant 79 : i32
    %scan3A_7 = arith.addi %scan3A_5, %scan3A_6 : i32
    %scan3A_8 = arith.constant 1 : i32
    scf.for %scan3A_11 = %scan3A_5 to %scan3A_7 step %scan3A_8  : i32 {
      %add3A_12 = arith.addi %mul3A_4, %scan3A_11 : i32
      "tpu.region"() ({
        %run_scoped3A_25 = tpu.sem_alloc : memref<!tpu.dma_semaphore, #tpu.memory_space<semaphore_mem>>
        %dma_start3A_26 = arith.constant 0 : i32
        %dma_start3A_27 = arith.constant 0 : i32
        %dma_start3A_28 = tpu.memref_slice %arg3[%add3A_12, %dma_start3A_26, %dma_start3A_27] : memref<2528x2x128xi32, #tpu.memory_space<hbm>> -> memref<1x2x128xi32, #tpu.memory_space<hbm>>
        %dma_start3A_29 = tpu.memref_squeeze %dma_start3A_28 : memref<1x2x128xi32, #tpu.memory_space<hbm>> -> memref<2x128xi32, #tpu.memory_space<hbm>>
        %dma_start3A_30 = arith.constant 0 : i32
        %dma_start3A_31 = arith.constant 0 : i32
        %dma_start3A_32 = tpu.memref_slice %arg3[%add3A_12, %dma_start3A_30, %dma_start3A_31] : memref<2528x2x128xi32, #tpu.memory_space<hbm>> -> memref<1x2x128xi32, #tpu.memory_space<hbm>>
        %dma_start3A_33 = tpu.memref_squeeze %dma_start3A_32 : memref<1x2x128xi32, #tpu.memory_space<hbm>> -> memref<2x128xi32, #tpu.memory_space<hbm>>
        tpu.enqueue_dma source(%dma_start3A_33 : memref<2x128xi32, #tpu.memory_space<hbm>>) target(%arg6 : memref<2x128xi32, #tpu.memory_space<vmem>>) target_semaphore(%run_scoped3A_25 : memref<!tpu.dma_semaphore, #tpu.memory_space<semaphore_mem>>)
        %dma_wait3A_34 = arith.constant 0 : i32
        %dma_wait3A_35 = arith.constant 0 : i32
        %dma_wait3A_36 = tpu.memref_slice %arg3[%add3A_12, %dma_wait3A_34, %dma_wait3A_35] : memref<2528x2x128xi32, #tpu.memory_space<hbm>> -> memref<1x2x128xi32, #tpu.memory_space<hbm>>
        %dma_wait3A_37 = tpu.memref_squeeze %dma_wait3A_36 : memref<1x2x128xi32, #tpu.memory_space<hbm>> -> memref<2x128xi32, #tpu.memory_space<hbm>>
        %dma_wait3A_38 = arith.constant 0 : i32
        %dma_wait3A_39 = arith.constant 0 : i32
        %dma_wait3A_40 = tpu.memref_slice %arg3[%add3A_12, %dma_wait3A_38, %dma_wait3A_39] : memref<2528x2x128xi32, #tpu.memory_space<hbm>> -> memref<1x2x128xi32, #tpu.memory_space<hbm>>
        %dma_wait3A_41 = tpu.memref_squeeze %dma_wait3A_40 : memref<1x2x128xi32, #tpu.memory_space<hbm>> -> memref<2x128xi32, #tpu.memory_space<hbm>>
        tpu.wait_dma2 semaphore(%run_scoped3A_25 : memref<!tpu.dma_semaphore, #tpu.memory_space<semaphore_mem>>) src(%dma_wait3A_41 : memref<2x128xi32, #tpu.memory_space<hbm>>) dst(%arg6 : memref<2x128xi32, #tpu.memory_space<vmem>>)
        tpu.yield
      }) : () -> ()
      %dma_start3A = arith.constant 0 : i32
      %dma_start3A_13 = arith.constant 0 : i32
      %dma_start3A_14 = tpu.memref_slice %arg6[%dma_start3A, %dma_start3A_13] : memref<2x128xi32, #tpu.memory_space<vmem>> -> memref<1x128xi32, #tpu.memory_space<vmem>>
      %dma_start3A_15 = tpu.memref_squeeze %dma_start3A_14 : memref<1x128xi32, #tpu.memory_space<vmem>> -> memref<128xi32, #tpu.memory_space<vmem>>
      %dma_start3A_16 = arith.constant 0 : i32
      %dma_start3A_17 = arith.constant 0 : i32
      %dma_start3A_18 = tpu.memref_slice %arg2[%dma_start3A_16, %dma_start3A_17] : memref<10000x128xf32, #tpu.memory_space<hbm>> -> memref<10000x128xf32, #tpu.memory_space<hbm>>
      tpu.enqueue_indirect_dma source(%dma_start3A_18 : memref<10000x128xf32, #tpu.memory_space<hbm>>) target(%arg7 : memref<128x128xf32, #tpu.memory_space<vmem>>) offsets(%dma_start3A_15 : memref<128xi32, #tpu.memory_space<vmem>>) semaphore(%arg9 : memref<!tpu.dma_semaphore, #tpu.memory_space<semaphore_mem>>)
      %dma_wait3A = arith.constant 0 : i32
      %dma_wait3A_19 = arith.constant 0 : i32
      %dma_wait3A_20 = tpu.memref_slice %arg6[%dma_wait3A, %dma_wait3A_19] : memref<2x128xi32, #tpu.memory_space<vmem>> -> memref<1x128xi32, #tpu.memory_space<vmem>>
      %dma_wait3A_21 = tpu.memref_squeeze %dma_wait3A_20 : memref<1x128xi32, #tpu.memory_space<vmem>> -> memref<128xi32, #tpu.memory_space<vmem>>
      %dma_wait3A_22 = arith.constant 0 : i32
      %dma_wait3A_23 = arith.constant 0 : i32
      %dma_wait3A_24 = tpu.memref_slice %arg2[%dma_wait3A_22, %dma_wait3A_23] : memref<10000x128xf32, #tpu.memory_space<hbm>> -> memref<10000x128xf32, #tpu.memory_space<hbm>>
      tpu.wait_indirect_dma semaphore(%arg9 : memref<!tpu.dma_semaphore, #tpu.memory_space<semaphore_mem>>) src(%dma_wait3A_24 : memref<10000x128xf32, #tpu.memory_space<hbm>>) dst(%arg7 : memref<128x128xf32, #tpu.memory_space<vmem>>)
      %run_scoped3A = arith.constant 1 : i32
      "tpu.region"() ({
        %run_scoped3A_25 = tpu.sem_alloc : memref<!tpu.dma_semaphore, #tpu.memory_space<semaphore_mem>>
        %dma_start3A_26 = arith.constant 0 : i32
        %dma_start3A_27 = tpu.memref_slice %arg6[%run_scoped3A, %dma_start3A_26] : memref<2x128xi32, #tpu.memory_space<vmem>> -> memref<1x128xi32, #tpu.memory_space<vmem>>
        %dma_start3A_28 = tpu.memref_squeeze %dma_start3A_27 : memref<1x128xi32, #tpu.memory_space<vmem>> -> memref<128xi32, #tpu.memory_space<vmem>>
        %dma_start3A_29 = arith.constant 0 : i32
        %dma_start3A_30 = arith.constant 0 : i32
        %dma_start3A_31 = tpu.memref_slice %arg8[%dma_start3A_29, %dma_start3A_30] : memref<10112x128xf32, #tpu.memory_space<vmem_shared>> -> memref<10112x128xf32, #tpu.memory_space<vmem_shared>>
        tpu.enqueue_indirect_dma source(%arg7 : memref<128x128xf32, #tpu.memory_space<vmem>>) target(%dma_start3A_31 : memref<10112x128xf32, #tpu.memory_space<vmem_shared>>) offsets(%dma_start3A_28 : memref<128xi32, #tpu.memory_space<vmem>>) semaphore(%run_scoped3A_25 : memref<!tpu.dma_semaphore, #tpu.memory_space<semaphore_mem>>) {add = true}
        %dma_wait3A_32 = arith.constant 0 : i32
        %dma_wait3A_33 = tpu.memref_slice %arg6[%run_scoped3A, %dma_wait3A_32] : memref<2x128xi32, #tpu.memory_space<vmem>> -> memref<1x128xi32, #tpu.memory_space<vmem>>
        %dma_wait3A_34 = tpu.memref_squeeze %dma_wait3A_33 : memref<1x128xi32, #tpu.memory_space<vmem>> -> memref<128xi32, #tpu.memory_space<vmem>>
        %dma_wait3A_35 = arith.constant 0 : i32
        %dma_wait3A_36 = arith.constant 0 : i32
        %dma_wait3A_37 = tpu.memref_slice %arg8[%dma_wait3A_35, %dma_wait3A_36] : memref<10112x128xf32, #tpu.memory_space<vmem_shared>> -> memref<10112x128xf32, #tpu.memory_space<vmem_shared>>
        tpu.wait_indirect_dma semaphore(%run_scoped3A_25 : memref<!tpu.dma_semaphore, #tpu.memory_space<semaphore_mem>>) src(%arg7 : memref<128x128xf32, #tpu.memory_space<vmem>>) dst(%dma_wait3A_37 : memref<10112x128xf32, #tpu.memory_space<vmem_shared>>)
        tpu.yield
      }) : () -> ()
    }
    %scan3A_9 = arith.constant 79 : i32
    %barrier3A_10 = arith.constant 0 : index
    tpu.barrier barrier_id(%barrier3A_10)
    "tpu.region"() ({
      %run_scoped3A = tpu.sem_alloc : memref<!tpu.dma_semaphore, #tpu.memory_space<semaphore_mem>>
      %dma_start3A = arith.constant 0 : i32
      %dma_start3A_11 = tpu.memref_slice %arg5[%arg0, %mul3A_0, %dma_start3A] : memref<2x10112x128xf32, #tpu.memory_space<hbm>> -> memref<1x632x128xf32, #tpu.memory_space<hbm>>
      %dma_start3A_12 = tpu.memref_squeeze %dma_start3A_11 : memref<1x632x128xf32, #tpu.memory_space<hbm>> -> memref<632x128xf32, #tpu.memory_space<hbm>>
      %dma_start3A_13 = arith.constant 0 : i32
      %dma_start3A_14 = tpu.memref_slice %arg8[%mul3A_0, %dma_start3A_13] : memref<10112x128xf32, #tpu.memory_space<vmem_shared>> -> memref<632x128xf32, #tpu.memory_space<vmem_shared>>
      tpu.enqueue_dma source(%dma_start3A_14 : memref<632x128xf32, #tpu.memory_space<vmem_shared>>) target(%dma_start3A_12 : memref<632x128xf32, #tpu.memory_space<hbm>>) target_semaphore(%run_scoped3A : memref<!tpu.dma_semaphore, #tpu.memory_space<semaphore_mem>>)
      %dma_wait3A = arith.constant 0 : i32
      %dma_wait3A_15 = tpu.memref_slice %arg5[%arg0, %mul3A_0, %dma_wait3A] : memref<2x10112x128xf32, #tpu.memory_space<hbm>> -> memref<1x632x128xf32, #tpu.memory_space<hbm>>
      %dma_wait3A_16 = tpu.memref_squeeze %dma_wait3A_15 : memref<1x632x128xf32, #tpu.memory_space<hbm>> -> memref<632x128xf32, #tpu.memory_space<hbm>>
      %dma_wait3A_17 = arith.constant 0 : i32
      %dma_wait3A_18 = tpu.memref_slice %arg8[%mul3A_0, %dma_wait3A_17] : memref<10112x128xf32, #tpu.memory_space<vmem_shared>> -> memref<632x128xf32, #tpu.memory_space<vmem_shared>>
      tpu.wait_dma2 semaphore(%run_scoped3A : memref<!tpu.dma_semaphore, #tpu.memory_space<semaphore_mem>>) src(%dma_wait3A_18 : memref<632x128xf32, #tpu.memory_space<vmem_shared>>) dst(%dma_wait3A_16 : memref<632x128xf32, #tpu.memory_space<hbm>>)
      tpu.yield
    }) : () -> ()
    return
  }
}

#map = affine_map<(d0, d1) -> (0, 0)>
#map1 = affine_map<(d0, d1) -> (0, 0, 0)>
module attributes {stable_mosaic.version = 14 : i64} {
  func.func @agg(%arg0: i32, %arg1: i32, %arg2: memref<10000x128xf32, #tpu.memory_space<hbm>>, %arg3: memref<2528x2x128xi32, #tpu.memory_space<hbm>>, %arg4: memref<10112x128xf32, #tpu.memory_space<hbm>>, %arg5: memref<2x10112x128xf32, #tpu.memory_space<hbm>>, %arg6: memref<2x128xi32, #tpu.memory_space<vmem>>, %arg7: memref<128x128xf32, #tpu.memory_space<vmem>>, %arg8: memref<10112x128xf32, #tpu.memory_space<vmem_shared>>, %arg9: memref<!tpu.dma_semaphore, #tpu.memory_space<semaphore_mem>>) attributes {dimension_semantics = [#tpu.dimension_semantics<core_parallel>, #tpu.dimension_semantics<subcore_parallel>], iteration_bounds = array<i64: 2, 16>, scalar_prefetch = 0 : i64, scratch_operands = 4 : i64, tpu.core_type = #tpu.core_type<sc_vector_subcore>, window_params = [{transform_indices = #map}, {transform_indices = #map1}, {transform_indices = #map}, {transform_indices = #map1}]} {
    %mul3A = arith.constant 632 : i32
    %mul3A_0 = arith.muli %arg1, %mul3A : i32
    "tpu.region"() ({
      %run_scoped3A = tpu.sem_alloc : memref<!tpu.dma_semaphore, #tpu.memory_space<semaphore_mem>>
      %dma_start3A = arith.constant 0 : i32
      %dma_start3A_11 = tpu.memref_slice %arg8[%mul3A_0, %dma_start3A] : memref<10112x128xf32, #tpu.memory_space<vmem_shared>> -> memref<632x128xf32, #tpu.memory_space<vmem_shared>>
      %dma_start3A_12 = arith.constant 0 : i32
      %dma_start3A_13 = tpu.memref_slice %arg4[%mul3A_0, %dma_start3A_12] : memref<10112x128xf32, #tpu.memory_space<hbm>> -> memref<632x128xf32, #tpu.memory_space<hbm>>
      tpu.enqueue_dma source(%dma_start3A_13 : memref<632x128xf32, #tpu.memory_space<hbm>>) target(%dma_start3A_11 : memref<632x128xf32, #tpu.memory_space<vmem_shared>>) target_semaphore(%run_scoped3A : memref<!tpu.dma_semaphore, #tpu.memory_space<semaphore_mem>>)
      %dma_wait3A = arith.constant 0 : i32
      %dma_wait3A_14 = tpu.memref_slice %arg8[%mul3A_0, %dma_wait3A] : memref<10112x128xf32, #tpu.memory_space<vmem_shared>> -> memref<632x128xf32, #tpu.memory_space<vmem_shared>>
      %dma_wait3A_15 = arith.constant 0 : i32
      %dma_wait3A_16 = tpu.memref_slice %arg4[%mul3A_0, %dma_wait3A_15] : memref<10112x128xf32, #tpu.memory_space<hbm>> -> memref<632x128xf32, #tpu.memory_space<hbm>>
      tpu.wait_dma2 semaphore(%run_scoped3A : memref<!tpu.dma_semaphore, #tpu.memory_space<semaphore_mem>>) src(%dma_wait3A_16 : memref<632x128xf32, #tpu.memory_space<hbm>>) dst(%dma_wait3A_14 : memref<632x128xf32, #tpu.memory_space<vmem_shared>>)
      tpu.yield
    }) : () -> ()
    %barrier3A = arith.constant 0 : index
    tpu.barrier barrier_id(%barrier3A)
    %mul3A_1 = arith.constant 2 : i32
    %mul3A_2 = arith.muli %arg1, %mul3A_1 : i32
    %add3A = arith.addi %mul3A_2, %arg0 : i32
    %mul3A_3 = arith.constant 79 : i32
    %mul3A_4 = arith.muli %add3A, %mul3A_3 : i32
    %scan3A = arith.constant 0 : i32
    %scan3A_5 = arith.constant 0 : i32
    %scan3A_6 = arith.constant 79 : i32
    %scan3A_7 = arith.addi %scan3A_5, %scan3A_6 : i32
    %scan3A_8 = arith.constant 1 : i32
    scf.for %scan3A_11 = %scan3A_5 to %scan3A_7 step %scan3A_8  : i32 {
      %add3A_12 = arith.addi %mul3A_4, %scan3A_11 : i32
      "tpu.region"() ({
        %run_scoped3A_25 = tpu.sem_alloc : memref<!tpu.dma_semaphore, #tpu.memory_space<semaphore_mem>>
        %dma_start3A_26 = arith.constant 0 : i32
        %dma_start3A_27 = arith.constant 0 : i32
        %dma_start3A_28 = tpu.memref_slice %arg3[%add3A_12, %dma_start3A_26, %dma_start3A_27] : memref<2528x2x128xi32, #tpu.memory_space<hbm>> -> memref<1x2x128xi32, #tpu.memory_space<hbm>>
        %dma_start3A_29 = tpu.memref_squeeze %dma_start3A_28 : memref<1x2x128xi32, #tpu.memory_space<hbm>> -> memref<2x128xi32, #tpu.memory_space<hbm>>
        %dma_start3A_30 = arith.constant 0 : i32
        %dma_start3A_31 = arith.constant 0 : i32
        %dma_start3A_32 = tpu.memref_slice %arg3[%add3A_12, %dma_start3A_30, %dma_start3A_31] : memref<2528x2x128xi32, #tpu.memory_space<hbm>> -> memref<1x2x128xi32, #tpu.memory_space<hbm>>
        %dma_start3A_33 = tpu.memref_squeeze %dma_start3A_32 : memref<1x2x128xi32, #tpu.memory_space<hbm>> -> memref<2x128xi32, #tpu.memory_space<hbm>>
        tpu.enqueue_dma source(%dma_start3A_33 : memref<2x128xi32, #tpu.memory_space<hbm>>) target(%arg6 : memref<2x128xi32, #tpu.memory_space<vmem>>) target_semaphore(%run_scoped3A_25 : memref<!tpu.dma_semaphore, #tpu.memory_space<semaphore_mem>>)
        %dma_wait3A_34 = arith.constant 0 : i32
        %dma_wait3A_35 = arith.constant 0 : i32
        %dma_wait3A_36 = tpu.memref_slice %arg3[%add3A_12, %dma_wait3A_34, %dma_wait3A_35] : memref<2528x2x128xi32, #tpu.memory_space<hbm>> -> memref<1x2x128xi32, #tpu.memory_space<hbm>>
        %dma_wait3A_37 = tpu.memref_squeeze %dma_wait3A_36 : memref<1x2x128xi32, #tpu.memory_space<hbm>> -> memref<2x128xi32, #tpu.memory_space<hbm>>
        %dma_wait3A_38 = arith.constant 0 : i32
        %dma_wait3A_39 = arith.constant 0 : i32
        %dma_wait3A_40 = tpu.memref_slice %arg3[%add3A_12, %dma_wait3A_38, %dma_wait3A_39] : memref<2528x2x128xi32, #tpu.memory_space<hbm>> -> memref<1x2x128xi32, #tpu.memory_space<hbm>>
        %dma_wait3A_41 = tpu.memref_squeeze %dma_wait3A_40 : memref<1x2x128xi32, #tpu.memory_space<hbm>> -> memref<2x128xi32, #tpu.memory_space<hbm>>
        tpu.wait_dma2 semaphore(%run_scoped3A_25 : memref<!tpu.dma_semaphore, #tpu.memory_space<semaphore_mem>>) src(%dma_wait3A_41 : memref<2x128xi32, #tpu.memory_space<hbm>>) dst(%arg6 : memref<2x128xi32, #tpu.memory_space<vmem>>)
        tpu.yield
      }) : () -> ()
      %dma_start3A = arith.constant 0 : i32
      %dma_start3A_13 = arith.constant 0 : i32
      %dma_start3A_14 = tpu.memref_slice %arg6[%dma_start3A, %dma_start3A_13] : memref<2x128xi32, #tpu.memory_space<vmem>> -> memref<1x128xi32, #tpu.memory_space<vmem>>
      %dma_start3A_15 = tpu.memref_squeeze %dma_start3A_14 : memref<1x128xi32, #tpu.memory_space<vmem>> -> memref<128xi32, #tpu.memory_space<vmem>>
      %dma_start3A_16 = arith.constant 0 : i32
      %dma_start3A_17 = arith.constant 0 : i32
      %dma_start3A_18 = tpu.memref_slice %arg2[%dma_start3A_16, %dma_start3A_17] : memref<10000x128xf32, #tpu.memory_space<hbm>> -> memref<10000x128xf32, #tpu.memory_space<hbm>>
      tpu.enqueue_indirect_dma source(%dma_start3A_18 : memref<10000x128xf32, #tpu.memory_space<hbm>>) target(%arg7 : memref<128x128xf32, #tpu.memory_space<vmem>>) offsets(%dma_start3A_15 : memref<128xi32, #tpu.memory_space<vmem>>) semaphore(%arg9 : memref<!tpu.dma_semaphore, #tpu.memory_space<semaphore_mem>>)
      %dma_wait3A = arith.constant 0 : i32
      %dma_wait3A_19 = arith.constant 0 : i32
      %dma_wait3A_20 = tpu.memref_slice %arg6[%dma_wait3A, %dma_wait3A_19] : memref<2x128xi32, #tpu.memory_space<vmem>> -> memref<1x128xi32, #tpu.memory_space<vmem>>
      %dma_wait3A_21 = tpu.memref_squeeze %dma_wait3A_20 : memref<1x128xi32, #tpu.memory_space<vmem>> -> memref<128xi32, #tpu.memory_space<vmem>>
      %dma_wait3A_22 = arith.constant 0 : i32
      %dma_wait3A_23 = arith.constant 0 : i32
      %dma_wait3A_24 = tpu.memref_slice %arg2[%dma_wait3A_22, %dma_wait3A_23] : memref<10000x128xf32, #tpu.memory_space<hbm>> -> memref<10000x128xf32, #tpu.memory_space<hbm>>
      tpu.wait_indirect_dma semaphore(%arg9 : memref<!tpu.dma_semaphore, #tpu.memory_space<semaphore_mem>>) src(%dma_wait3A_24 : memref<10000x128xf32, #tpu.memory_space<hbm>>) dst(%arg7 : memref<128x128xf32, #tpu.memory_space<vmem>>)
      %run_scoped3A = arith.constant 1 : i32
      "tpu.region"() ({
        %run_scoped3A_25 = tpu.sem_alloc : memref<!tpu.dma_semaphore, #tpu.memory_space<semaphore_mem>>
        %dma_start3A_26 = arith.constant 0 : i32
        %dma_start3A_27 = tpu.memref_slice %arg6[%run_scoped3A, %dma_start3A_26] : memref<2x128xi32, #tpu.memory_space<vmem>> -> memref<1x128xi32, #tpu.memory_space<vmem>>
        %dma_start3A_28 = tpu.memref_squeeze %dma_start3A_27 : memref<1x128xi32, #tpu.memory_space<vmem>> -> memref<128xi32, #tpu.memory_space<vmem>>
        %dma_start3A_29 = arith.constant 0 : i32
        %dma_start3A_30 = arith.constant 0 : i32
        %dma_start3A_31 = tpu.memref_slice %arg8[%dma_start3A_29, %dma_start3A_30] : memref<10112x128xf32, #tpu.memory_space<vmem_shared>> -> memref<10112x128xf32, #tpu.memory_space<vmem_shared>>
        tpu.enqueue_indirect_dma source(%arg7 : memref<128x128xf32, #tpu.memory_space<vmem>>) target(%dma_start3A_31 : memref<10112x128xf32, #tpu.memory_space<vmem_shared>>) offsets(%dma_start3A_28 : memref<128xi32, #tpu.memory_space<vmem>>) semaphore(%run_scoped3A_25 : memref<!tpu.dma_semaphore, #tpu.memory_space<semaphore_mem>>) {add = true}
        %dma_wait3A_32 = arith.constant 0 : i32
        %dma_wait3A_33 = tpu.memref_slice %arg6[%run_scoped3A, %dma_wait3A_32] : memref<2x128xi32, #tpu.memory_space<vmem>> -> memref<1x128xi32, #tpu.memory_space<vmem>>
        %dma_wait3A_34 = tpu.memref_squeeze %dma_wait3A_33 : memref<1x128xi32, #tpu.memory_space<vmem>> -> memref<128xi32, #tpu.memory_space<vmem>>
        %dma_wait3A_35 = arith.constant 0 : i32
        %dma_wait3A_36 = arith.constant 0 : i32
        %dma_wait3A_37 = tpu.memref_slice %arg8[%dma_wait3A_35, %dma_wait3A_36] : memref<10112x128xf32, #tpu.memory_space<vmem_shared>> -> memref<10112x128xf32, #tpu.memory_space<vmem_shared>>
        tpu.wait_indirect_dma semaphore(%run_scoped3A_25 : memref<!tpu.dma_semaphore, #tpu.memory_space<semaphore_mem>>) src(%arg7 : memref<128x128xf32, #tpu.memory_space<vmem>>) dst(%dma_wait3A_37 : memref<10112x128xf32, #tpu.memory_space<vmem_shared>>)
        tpu.yield
      }) : () -> ()
    }
    %scan3A_9 = arith.constant 79 : i32
    %barrier3A_10 = arith.constant 0 : index
    tpu.barrier barrier_id(%barrier3A_10)
    "tpu.region"() ({
      %run_scoped3A = tpu.sem_alloc : memref<!tpu.dma_semaphore, #tpu.memory_space<semaphore_mem>>
      %dma_start3A = arith.constant 0 : i32
      %dma_start3A_11 = tpu.memref_slice %arg5[%arg0, %mul3A_0, %dma_start3A] : memref<2x10112x128xf32, #tpu.memory_space<hbm>> -> memref<1x632x128xf32, #tpu.memory_space<hbm>>
      %dma_start3A_12 = tpu.memref_squeeze %dma_start3A_11 : memref<1x632x128xf32, #tpu.memory_space<hbm>> -> memref<632x128xf32, #tpu.memory_space<hbm>>
      %dma_start3A_13 = arith.constant 0 : i32
      %dma_start3A_14 = tpu.memref_slice %arg8[%mul3A_0, %dma_start3A_13] : memref<10112x128xf32, #tpu.memory_space<vmem_shared>> -> memref<632x128xf32, #tpu.memory_space<vmem_shared>>
      tpu.enqueue_dma source(%dma_start3A_14 : memref<632x128xf32, #tpu.memory_space<vmem_shared>>) target(%dma_start3A_12 : memref<632x128xf32, #tpu.memory_space<hbm>>) target_semaphore(%run_scoped3A : memref<!tpu.dma_semaphore, #tpu.memory_space<semaphore_mem>>)
      %dma_wait3A = arith.constant 0 : i32
      %dma_wait3A_15 = tpu.memref_slice %arg5[%arg0, %mul3A_0, %dma_wait3A] : memref<2x10112x128xf32, #tpu.memory_space<hbm>> -> memref<1x632x128xf32, #tpu.memory_space<hbm>>
      %dma_wait3A_16 = tpu.memref_squeeze %dma_wait3A_15 : memref<1x632x128xf32, #tpu.memory_space<hbm>> -> memref<632x128xf32, #tpu.memory_space<hbm>>
      %dma_wait3A_17 = arith.constant 0 : i32
      %dma_wait3A_18 = tpu.memref_slice %arg8[%mul3A_0, %dma_wait3A_17] : memref<10112x128xf32, #tpu.memory_space<vmem_shared>> -> memref<632x128xf32, #tpu.memory_space<vmem_shared>>
      tpu.wait_dma2 semaphore(%run_scoped3A : memref<!tpu.dma_semaphore, #tpu.memory_space<semaphore_mem>>) src(%dma_wait3A_18 : memref<632x128xf32, #tpu.memory_space<vmem_shared>>) dst(%dma_wait3A_16 : memref<632x128xf32, #tpu.memory_space<hbm>>)
      tpu.yield
    }) : () -> ()
    return
  }
}

#map = affine_map<(d0, d1) -> (0, 0)>
#map1 = affine_map<(d0, d1) -> (0, 0, 0)>
module attributes {stable_mosaic.version = 14 : i64} {
  func.func @agg(%arg0: i32, %arg1: i32, %arg2: memref<10000x128xf32, #tpu.memory_space<hbm>>, %arg3: memref<2528x2x128xi32, #tpu.memory_space<hbm>>, %arg4: memref<10112x128xf32, #tpu.memory_space<hbm>>, %arg5: memref<2x10112x128xf32, #tpu.memory_space<hbm>>, %arg6: memref<2x128xi32, #tpu.memory_space<vmem>>, %arg7: memref<128x128xf32, #tpu.memory_space<vmem>>, %arg8: memref<10112x128xf32, #tpu.memory_space<vmem_shared>>, %arg9: memref<!tpu.dma_semaphore, #tpu.memory_space<semaphore_mem>>) attributes {dimension_semantics = [#tpu.dimension_semantics<core_parallel>, #tpu.dimension_semantics<subcore_parallel>], iteration_bounds = array<i64: 2, 16>, scalar_prefetch = 0 : i64, scratch_operands = 4 : i64, tpu.core_type = #tpu.core_type<sc_vector_subcore>, window_params = [{transform_indices = #map}, {transform_indices = #map1}, {transform_indices = #map}, {transform_indices = #map1}]} {
    %mul3A = arith.constant 632 : i32
    %mul3A_0 = arith.muli %arg1, %mul3A : i32
    "tpu.region"() ({
      %run_scoped3A = tpu.sem_alloc : memref<!tpu.dma_semaphore, #tpu.memory_space<semaphore_mem>>
      %dma_start3A = arith.constant 0 : i32
      %dma_start3A_11 = tpu.memref_slice %arg8[%mul3A_0, %dma_start3A] : memref<10112x128xf32, #tpu.memory_space<vmem_shared>> -> memref<632x128xf32, #tpu.memory_space<vmem_shared>>
      %dma_start3A_12 = arith.constant 0 : i32
      %dma_start3A_13 = tpu.memref_slice %arg4[%mul3A_0, %dma_start3A_12] : memref<10112x128xf32, #tpu.memory_space<hbm>> -> memref<632x128xf32, #tpu.memory_space<hbm>>
      tpu.enqueue_dma source(%dma_start3A_13 : memref<632x128xf32, #tpu.memory_space<hbm>>) target(%dma_start3A_11 : memref<632x128xf32, #tpu.memory_space<vmem_shared>>) target_semaphore(%run_scoped3A : memref<!tpu.dma_semaphore, #tpu.memory_space<semaphore_mem>>)
      %dma_wait3A = arith.constant 0 : i32
      %dma_wait3A_14 = tpu.memref_slice %arg8[%mul3A_0, %dma_wait3A] : memref<10112x128xf32, #tpu.memory_space<vmem_shared>> -> memref<632x128xf32, #tpu.memory_space<vmem_shared>>
      %dma_wait3A_15 = arith.constant 0 : i32
      %dma_wait3A_16 = tpu.memref_slice %arg4[%mul3A_0, %dma_wait3A_15] : memref<10112x128xf32, #tpu.memory_space<hbm>> -> memref<632x128xf32, #tpu.memory_space<hbm>>
      tpu.wait_dma2 semaphore(%run_scoped3A : memref<!tpu.dma_semaphore, #tpu.memory_space<semaphore_mem>>) src(%dma_wait3A_16 : memref<632x128xf32, #tpu.memory_space<hbm>>) dst(%dma_wait3A_14 : memref<632x128xf32, #tpu.memory_space<vmem_shared>>)
      tpu.yield
    }) : () -> ()
    %barrier3A = arith.constant 0 : index
    tpu.barrier barrier_id(%barrier3A)
    %mul3A_1 = arith.constant 2 : i32
    %mul3A_2 = arith.muli %arg1, %mul3A_1 : i32
    %add3A = arith.addi %mul3A_2, %arg0 : i32
    %mul3A_3 = arith.constant 79 : i32
    %mul3A_4 = arith.muli %add3A, %mul3A_3 : i32
    %scan3A = arith.constant 0 : i32
    %scan3A_5 = arith.constant 0 : i32
    %scan3A_6 = arith.constant 79 : i32
    %scan3A_7 = arith.addi %scan3A_5, %scan3A_6 : i32
    %scan3A_8 = arith.constant 1 : i32
    scf.for %scan3A_11 = %scan3A_5 to %scan3A_7 step %scan3A_8  : i32 {
      %add3A_12 = arith.addi %mul3A_4, %scan3A_11 : i32
      "tpu.region"() ({
        %run_scoped3A_25 = tpu.sem_alloc : memref<!tpu.dma_semaphore, #tpu.memory_space<semaphore_mem>>
        %dma_start3A_26 = arith.constant 0 : i32
        %dma_start3A_27 = arith.constant 0 : i32
        %dma_start3A_28 = tpu.memref_slice %arg3[%add3A_12, %dma_start3A_26, %dma_start3A_27] : memref<2528x2x128xi32, #tpu.memory_space<hbm>> -> memref<1x2x128xi32, #tpu.memory_space<hbm>>
        %dma_start3A_29 = tpu.memref_squeeze %dma_start3A_28 : memref<1x2x128xi32, #tpu.memory_space<hbm>> -> memref<2x128xi32, #tpu.memory_space<hbm>>
        %dma_start3A_30 = arith.constant 0 : i32
        %dma_start3A_31 = arith.constant 0 : i32
        %dma_start3A_32 = tpu.memref_slice %arg3[%add3A_12, %dma_start3A_30, %dma_start3A_31] : memref<2528x2x128xi32, #tpu.memory_space<hbm>> -> memref<1x2x128xi32, #tpu.memory_space<hbm>>
        %dma_start3A_33 = tpu.memref_squeeze %dma_start3A_32 : memref<1x2x128xi32, #tpu.memory_space<hbm>> -> memref<2x128xi32, #tpu.memory_space<hbm>>
        tpu.enqueue_dma source(%dma_start3A_33 : memref<2x128xi32, #tpu.memory_space<hbm>>) target(%arg6 : memref<2x128xi32, #tpu.memory_space<vmem>>) target_semaphore(%run_scoped3A_25 : memref<!tpu.dma_semaphore, #tpu.memory_space<semaphore_mem>>)
        %dma_wait3A_34 = arith.constant 0 : i32
        %dma_wait3A_35 = arith.constant 0 : i32
        %dma_wait3A_36 = tpu.memref_slice %arg3[%add3A_12, %dma_wait3A_34, %dma_wait3A_35] : memref<2528x2x128xi32, #tpu.memory_space<hbm>> -> memref<1x2x128xi32, #tpu.memory_space<hbm>>
        %dma_wait3A_37 = tpu.memref_squeeze %dma_wait3A_36 : memref<1x2x128xi32, #tpu.memory_space<hbm>> -> memref<2x128xi32, #tpu.memory_space<hbm>>
        %dma_wait3A_38 = arith.constant 0 : i32
        %dma_wait3A_39 = arith.constant 0 : i32
        %dma_wait3A_40 = tpu.memref_slice %arg3[%add3A_12, %dma_wait3A_38, %dma_wait3A_39] : memref<2528x2x128xi32, #tpu.memory_space<hbm>> -> memref<1x2x128xi32, #tpu.memory_space<hbm>>
        %dma_wait3A_41 = tpu.memref_squeeze %dma_wait3A_40 : memref<1x2x128xi32, #tpu.memory_space<hbm>> -> memref<2x128xi32, #tpu.memory_space<hbm>>
        tpu.wait_dma2 semaphore(%run_scoped3A_25 : memref<!tpu.dma_semaphore, #tpu.memory_space<semaphore_mem>>) src(%dma_wait3A_41 : memref<2x128xi32, #tpu.memory_space<hbm>>) dst(%arg6 : memref<2x128xi32, #tpu.memory_space<vmem>>)
        tpu.yield
      }) : () -> ()
      %dma_start3A = arith.constant 0 : i32
      %dma_start3A_13 = arith.constant 0 : i32
      %dma_start3A_14 = tpu.memref_slice %arg6[%dma_start3A, %dma_start3A_13] : memref<2x128xi32, #tpu.memory_space<vmem>> -> memref<1x128xi32, #tpu.memory_space<vmem>>
      %dma_start3A_15 = tpu.memref_squeeze %dma_start3A_14 : memref<1x128xi32, #tpu.memory_space<vmem>> -> memref<128xi32, #tpu.memory_space<vmem>>
      %dma_start3A_16 = arith.constant 0 : i32
      %dma_start3A_17 = arith.constant 0 : i32
      %dma_start3A_18 = tpu.memref_slice %arg2[%dma_start3A_16, %dma_start3A_17] : memref<10000x128xf32, #tpu.memory_space<hbm>> -> memref<10000x128xf32, #tpu.memory_space<hbm>>
      tpu.enqueue_indirect_dma source(%dma_start3A_18 : memref<10000x128xf32, #tpu.memory_space<hbm>>) target(%arg7 : memref<128x128xf32, #tpu.memory_space<vmem>>) offsets(%dma_start3A_15 : memref<128xi32, #tpu.memory_space<vmem>>) semaphore(%arg9 : memref<!tpu.dma_semaphore, #tpu.memory_space<semaphore_mem>>)
      %dma_wait3A = arith.constant 0 : i32
      %dma_wait3A_19 = arith.constant 0 : i32
      %dma_wait3A_20 = tpu.memref_slice %arg6[%dma_wait3A, %dma_wait3A_19] : memref<2x128xi32, #tpu.memory_space<vmem>> -> memref<1x128xi32, #tpu.memory_space<vmem>>
      %dma_wait3A_21 = tpu.memref_squeeze %dma_wait3A_20 : memref<1x128xi32, #tpu.memory_space<vmem>> -> memref<128xi32, #tpu.memory_space<vmem>>
      %dma_wait3A_22 = arith.constant 0 : i32
      %dma_wait3A_23 = arith.constant 0 : i32
      %dma_wait3A_24 = tpu.memref_slice %arg2[%dma_wait3A_22, %dma_wait3A_23] : memref<10000x128xf32, #tpu.memory_space<hbm>> -> memref<10000x128xf32, #tpu.memory_space<hbm>>
      tpu.wait_indirect_dma semaphore(%arg9 : memref<!tpu.dma_semaphore, #tpu.memory_space<semaphore_mem>>) src(%dma_wait3A_24 : memref<10000x128xf32, #tpu.memory_space<hbm>>) dst(%arg7 : memref<128x128xf32, #tpu.memory_space<vmem>>)
      %run_scoped3A = arith.constant 1 : i32
      "tpu.region"() ({
        %run_scoped3A_25 = tpu.sem_alloc : memref<!tpu.dma_semaphore, #tpu.memory_space<semaphore_mem>>
        %dma_start3A_26 = arith.constant 0 : i32
        %dma_start3A_27 = tpu.memref_slice %arg6[%run_scoped3A, %dma_start3A_26] : memref<2x128xi32, #tpu.memory_space<vmem>> -> memref<1x128xi32, #tpu.memory_space<vmem>>
        %dma_start3A_28 = tpu.memref_squeeze %dma_start3A_27 : memref<1x128xi32, #tpu.memory_space<vmem>> -> memref<128xi32, #tpu.memory_space<vmem>>
        %dma_start3A_29 = arith.constant 0 : i32
        %dma_start3A_30 = arith.constant 0 : i32
        %dma_start3A_31 = tpu.memref_slice %arg8[%dma_start3A_29, %dma_start3A_30] : memref<10112x128xf32, #tpu.memory_space<vmem_shared>> -> memref<10112x128xf32, #tpu.memory_space<vmem_shared>>
        tpu.enqueue_indirect_dma source(%arg7 : memref<128x128xf32, #tpu.memory_space<vmem>>) target(%dma_start3A_31 : memref<10112x128xf32, #tpu.memory_space<vmem_shared>>) offsets(%dma_start3A_28 : memref<128xi32, #tpu.memory_space<vmem>>) semaphore(%run_scoped3A_25 : memref<!tpu.dma_semaphore, #tpu.memory_space<semaphore_mem>>) {add = true}
        %dma_wait3A_32 = arith.constant 0 : i32
        %dma_wait3A_33 = tpu.memref_slice %arg6[%run_scoped3A, %dma_wait3A_32] : memref<2x128xi32, #tpu.memory_space<vmem>> -> memref<1x128xi32, #tpu.memory_space<vmem>>
        %dma_wait3A_34 = tpu.memref_squeeze %dma_wait3A_33 : memref<1x128xi32, #tpu.memory_space<vmem>> -> memref<128xi32, #tpu.memory_space<vmem>>
        %dma_wait3A_35 = arith.constant 0 : i32
        %dma_wait3A_36 = arith.constant 0 : i32
        %dma_wait3A_37 = tpu.memref_slice %arg8[%dma_wait3A_35, %dma_wait3A_36] : memref<10112x128xf32, #tpu.memory_space<vmem_shared>> -> memref<10112x128xf32, #tpu.memory_space<vmem_shared>>
        tpu.wait_indirect_dma semaphore(%run_scoped3A_25 : memref<!tpu.dma_semaphore, #tpu.memory_space<semaphore_mem>>) src(%arg7 : memref<128x128xf32, #tpu.memory_space<vmem>>) dst(%dma_wait3A_37 : memref<10112x128xf32, #tpu.memory_space<vmem_shared>>)
        tpu.yield
      }) : () -> ()
    }
    %scan3A_9 = arith.constant 79 : i32
    %barrier3A_10 = arith.constant 0 : index
    tpu.barrier barrier_id(%barrier3A_10)
    "tpu.region"() ({
      %run_scoped3A = tpu.sem_alloc : memref<!tpu.dma_semaphore, #tpu.memory_space<semaphore_mem>>
      %dma_start3A = arith.constant 0 : i32
      %dma_start3A_11 = tpu.memref_slice %arg5[%arg0, %mul3A_0, %dma_start3A] : memref<2x10112x128xf32, #tpu.memory_space<hbm>> -> memref<1x632x128xf32, #tpu.memory_space<hbm>>
      %dma_start3A_12 = tpu.memref_squeeze %dma_start3A_11 : memref<1x632x128xf32, #tpu.memory_space<hbm>> -> memref<632x128xf32, #tpu.memory_space<hbm>>
      %dma_start3A_13 = arith.constant 0 : i32
      %dma_start3A_14 = tpu.memref_slice %arg8[%mul3A_0, %dma_start3A_13] : memref<10112x128xf32, #tpu.memory_space<vmem_shared>> -> memref<632x128xf32, #tpu.memory_space<vmem_shared>>
      tpu.enqueue_dma source(%dma_start3A_14 : memref<632x128xf32, #tpu.memory_space<vmem_shared>>) target(%dma_start3A_12 : memref<632x128xf32, #tpu.memory_space<hbm>>) target_semaphore(%run_scoped3A : memref<!tpu.dma_semaphore, #tpu.memory_space<semaphore_mem>>)
      %dma_wait3A = arith.constant 0 : i32
      %dma_wait3A_15 = tpu.memref_slice %arg5[%arg0, %mul3A_0, %dma_wait3A] : memref<2x10112x128xf32, #tpu.memory_space<hbm>> -> memref<1x632x128xf32, #tpu.memory_space<hbm>>
      %dma_wait3A_16 = tpu.memref_squeeze %dma_wait3A_15 : memref<1x632x128xf32, #tpu.memory_space<hbm>> -> memref<632x128xf32, #tpu.memory_space<hbm>>
      %dma_wait3A_17 = arith.constant 0 : i32
      %dma_wait3A_18 = tpu.memref_slice %arg8[%mul3A_0, %dma_wait3A_17] : memref<10112x128xf32, #tpu.memory_space<vmem_shared>> -> memref<632x128xf32, #tpu.memory_space<vmem_shared>>
      tpu.wait_dma2 semaphore(%run_scoped3A : memref<!tpu.dma_semaphore, #tpu.memory_space<semaphore_mem>>) src(%dma_wait3A_18 : memref<632x128xf32, #tpu.memory_space<vmem_shared>>) dst(%dma_wait3A_16 : memref<632x128xf32, #tpu.memory_space<hbm>>)
      tpu.yield
    }) : () -> ()
    return
  }
}

module attributes {stable_mosaic.version = 14 : i64} {
  func.func @_mlp_body(%arg0: memref<10000x128xf32, #tpu.memory_space<vmem>>, %arg1: memref<2x10112x128xf32, #tpu.memory_space<vmem>>, %arg2: memref<128x128xf32, #tpu.memory_space<vmem>>, %arg3: memref<1x128xf32, #tpu.memory_space<vmem>>, %arg4: memref<1x128xf32, #tpu.memory_space<vmem>>, %arg5: memref<1x128xf32, #tpu.memory_space<vmem>>, %arg6: memref<128x128xf32, #tpu.memory_space<vmem>>, %arg7: memref<1x128xf32, #tpu.memory_space<vmem>>, %arg8: memref<10000x128xf32, #tpu.memory_space<vmem>>) attributes {dimension_semantics = [], scalar_prefetch = 0 : i64, scratch_operands = 0 : i64, tpu.core_type = #tpu.core_type<tc>} {
    %get3A = arith.constant 0 : index
    %get3A_0 = arith.constant 0 : index
    %get3A_1 = vector.load %arg0[%get3A, %get3A_0] : memref<10000x128xf32, #tpu.memory_space<vmem>>, vector<10000x128xf32>
    %get3A_2 = arith.constant 0 : index
    %get3A_3 = arith.constant 0 : index
    %get3A_4 = arith.constant 0 : index
    %get3A_5 = vector.load %arg1[%get3A_2, %get3A_3, %get3A_4] : memref<2x10112x128xf32, #tpu.memory_space<vmem>>, vector<1x10000x128xf32>
    %get3A_6 = vector.shape_cast %get3A_5 : vector<1x10000x128xf32> to vector<10000x128xf32>
    %add3A = arith.addf %get3A_1, %get3A_6 : vector<10000x128xf32>
    %get3A_7 = arith.constant 1 : index
    %get3A_8 = arith.constant 0 : index
    %get3A_9 = arith.constant 0 : index
    %get3A_10 = vector.load %arg1[%get3A_7, %get3A_8, %get3A_9] : memref<2x10112x128xf32, #tpu.memory_space<vmem>>, vector<1x10000x128xf32>
    %get3A_11 = vector.shape_cast %get3A_10 : vector<1x10000x128xf32> to vector<10000x128xf32>
    %add3A_12 = arith.addf %add3A, %get3A_11 : vector<10000x128xf32>
    %get3A_13 = arith.constant 0 : index
    %get3A_14 = arith.constant 0 : index
    %get3A_15 = vector.load %arg2[%get3A_13, %get3A_14] : memref<128x128xf32, #tpu.memory_space<vmem>>, vector<128x128xf32>
    %dot_general3A = arith.constant dense<0.000000e+00> : vector<10000x128xf32>
    %dot_general3A_16 = tpu.matmul %add3A_12, %get3A_15, %dot_general3A {dimension_numbers = #tpu.dot_dimension_numbers<[1], [0], [0], [1], [0, 0, 1, 1], [], []>, transpose_lhs_hint = false} : vector<10000x128xf32>, vector<128x128xf32>, vector<10000x128xf32> -> vector<10000x128xf32>
    %get3A_17 = arith.constant 0 : index
    %get3A_18 = arith.constant 0 : index
    %get3A_19 = vector.load %arg3[%get3A_17, %get3A_18] : memref<1x128xf32, #tpu.memory_space<vmem>>, vector<1x128xf32>
    %add3A_20 = vector.broadcast %get3A_19 : vector<1x128xf32> to vector<10000x128xf32>
    %add3A_21 = arith.addf %dot_general3A_16, %add3A_20 : vector<10000x128xf32>
    %reduce_sum3A = arith.constant dense<0.000000e+00> : vector<128xf32>
    %reduce_sum3A_22 = vector.multi_reduction <add>, %add3A_21, %reduce_sum3A [0] : vector<10000x128xf32> to vector<128xf32>
    %broadcast_in_dim3A = vector.shape_cast %reduce_sum3A_22 : vector<128xf32> to vector<1x128xf32>
    %div3A = arith.constant 1.000000e+04 : f32
    %div3A_23 = vector.broadcast %div3A : f32 to vector<1x128xf32>
    %div3A_24 = arith.divf %broadcast_in_dim3A, %div3A_23 : vector<1x128xf32>
    %sub3A = vector.broadcast %div3A_24 : vector<1x128xf32> to vector<10000x128xf32>
    %sub3A_25 = arith.subf %add3A_21, %sub3A : vector<10000x128xf32>
    %mul3A = arith.mulf %sub3A_25, %sub3A_25 : vector<10000x128xf32>
    %reduce_sum3A_26 = arith.constant dense<0.000000e+00> : vector<128xf32>
    %reduce_sum3A_27 = vector.multi_reduction <add>, %mul3A, %reduce_sum3A_26 [0] : vector<10000x128xf32> to vector<128xf32>
    %broadcast_in_dim3A_28 = vector.shape_cast %reduce_sum3A_27 : vector<128xf32> to vector<1x128xf32>
    %div3A_29 = arith.constant 1.000000e+04 : f32
    %div3A_30 = vector.broadcast %div3A_29 : f32 to vector<1x128xf32>
    %div3A_31 = arith.divf %broadcast_in_dim3A_28, %div3A_30 : vector<1x128xf32>
    %get3A_32 = arith.constant 0 : index
    %get3A_33 = arith.constant 0 : index
    %get3A_34 = vector.load %arg4[%get3A_32, %get3A_33] : memref<1x128xf32, #tpu.memory_space<vmem>>, vector<1x128xf32>
    %mul3A_35 = vector.broadcast %get3A_34 : vector<1x128xf32> to vector<10000x128xf32>
    %mul3A_36 = arith.mulf %mul3A_35, %sub3A_25 : vector<10000x128xf32>
    %add3A_37 = arith.constant 9.99999974E-6 : f32
    %add3A_38 = vector.broadcast %add3A_37 : f32 to vector<1x128xf32>
    %add3A_39 = arith.addf %div3A_31, %add3A_38 : vector<1x128xf32>
    %rsqrt3A = math.rsqrt %add3A_39 : vector<1x128xf32>
    %mul3A_40 = vector.broadcast %rsqrt3A : vector<1x128xf32> to vector<10000x128xf32>
    %mul3A_41 = arith.mulf %mul3A_36, %mul3A_40 : vector<10000x128xf32>
    %get3A_42 = arith.constant 0 : index
    %get3A_43 = arith.constant 0 : index
    %get3A_44 = vector.load %arg5[%get3A_42, %get3A_43] : memref<1x128xf32, #tpu.memory_space<vmem>>, vector<1x128xf32>
    %add3A_45 = vector.broadcast %get3A_44 : vector<1x128xf32> to vector<10000x128xf32>
    %add3A_46 = arith.addf %mul3A_41, %add3A_45 : vector<10000x128xf32>
    %max3A = arith.constant 0.000000e+00 : f32
    %max3A_47 = vector.broadcast %max3A : f32 to vector<10000x128xf32>
    %max3A_48 = arith.maximumf %add3A_46, %max3A_47 : vector<10000x128xf32>
    %get3A_49 = arith.constant 0 : index
    %get3A_50 = arith.constant 0 : index
    %get3A_51 = vector.load %arg6[%get3A_49, %get3A_50] : memref<128x128xf32, #tpu.memory_space<vmem>>, vector<128x128xf32>
    %dot_general3A_52 = arith.constant dense<0.000000e+00> : vector<10000x128xf32>
    %dot_general3A_53 = tpu.matmul %max3A_48, %get3A_51, %dot_general3A_52 {dimension_numbers = #tpu.dot_dimension_numbers<[1], [0], [0], [1], [0, 0, 1, 1], [], []>, transpose_lhs_hint = false} : vector<10000x128xf32>, vector<128x128xf32>, vector<10000x128xf32> -> vector<10000x128xf32>
    %get3A_54 = arith.constant 0 : index
    %get3A_55 = arith.constant 0 : index
    %get3A_56 = vector.load %arg7[%get3A_54, %get3A_55] : memref<1x128xf32, #tpu.memory_space<vmem>>, vector<1x128xf32>
    %add3A_57 = vector.broadcast %get3A_56 : vector<1x128xf32> to vector<10000x128xf32>
    %add3A_58 = arith.addf %dot_general3A_53, %add3A_57 : vector<10000x128xf32>
    %max3A_59 = arith.constant 0.000000e+00 : f32
    %max3A_60 = vector.broadcast %max3A_59 : f32 to vector<10000x128xf32>
    %max3A_61 = arith.maximumf %add3A_58, %max3A_60 : vector<10000x128xf32>
    %swap3A = arith.constant 0 : index
    %swap3A_62 = arith.constant 0 : index
    %swap3A_63 = vector.load %arg8[%swap3A, %swap3A_62] : memref<10000x128xf32, #tpu.memory_space<vmem>>, vector<10000x128xf32>
    tpu.vector_store %arg8[%swap3A, %swap3A_62], %max3A_61 {strides = array<i32>} : memref<10000x128xf32, #tpu.memory_space<vmem>>, vector<10000x128xf32>,
    return
  }
}

module attributes {stable_mosaic.version = 14 : i64} {
  func.func @_final_body(%arg0: memref<10000x128xf32, #tpu.memory_space<vmem>>, %arg1: memref<2x10112x128xf32, #tpu.memory_space<vmem>>, %arg2: memref<128x128xf32, #tpu.memory_space<vmem>>, %arg3: memref<1x128xf32, #tpu.memory_space<vmem>>, %arg4: memref<1x128xf32, #tpu.memory_space<vmem>>, %arg5: memref<1x128xf32, #tpu.memory_space<vmem>>, %arg6: memref<128x128xf32, #tpu.memory_space<vmem>>, %arg7: memref<1x128xf32, #tpu.memory_space<vmem>>, %arg8: memref<1x10000xi32, #tpu.memory_space<vmem>>, %arg9: memref<128x128xf32, #tpu.memory_space<vmem>>, %arg10: memref<1x128xf32, #tpu.memory_space<vmem>>, %arg11: memref<128x10xf32, #tpu.memory_space<vmem>>, %arg12: memref<1x10xf32, #tpu.memory_space<vmem>>, %arg13: memref<64x10xf32, #tpu.memory_space<vmem>>) attributes {dimension_semantics = [], scalar_prefetch = 0 : i64, scratch_operands = 0 : i64, tpu.core_type = #tpu.core_type<tc>} {
    %get3A = arith.constant 0 : index
    %get3A_0 = arith.constant 0 : index
    %get3A_1 = vector.load %arg0[%get3A, %get3A_0] : memref<10000x128xf32, #tpu.memory_space<vmem>>, vector<10000x128xf32>
    %get3A_2 = arith.constant 0 : index
    %get3A_3 = arith.constant 0 : index
    %get3A_4 = arith.constant 0 : index
    %get3A_5 = vector.load %arg1[%get3A_2, %get3A_3, %get3A_4] : memref<2x10112x128xf32, #tpu.memory_space<vmem>>, vector<1x10000x128xf32>
    %get3A_6 = vector.shape_cast %get3A_5 : vector<1x10000x128xf32> to vector<10000x128xf32>
    %add3A = arith.addf %get3A_1, %get3A_6 : vector<10000x128xf32>
    %get3A_7 = arith.constant 1 : index
    %get3A_8 = arith.constant 0 : index
    %get3A_9 = arith.constant 0 : index
    %get3A_10 = vector.load %arg1[%get3A_7, %get3A_8, %get3A_9] : memref<2x10112x128xf32, #tpu.memory_space<vmem>>, vector<1x10000x128xf32>
    %get3A_11 = vector.shape_cast %get3A_10 : vector<1x10000x128xf32> to vector<10000x128xf32>
    %add3A_12 = arith.addf %add3A, %get3A_11 : vector<10000x128xf32>
    %get3A_13 = arith.constant 0 : index
    %get3A_14 = arith.constant 0 : index
    %get3A_15 = vector.load %arg2[%get3A_13, %get3A_14] : memref<128x128xf32, #tpu.memory_space<vmem>>, vector<128x128xf32>
    %dot_general3A = arith.constant dense<0.000000e+00> : vector<10000x128xf32>
    %dot_general3A_16 = tpu.matmul %add3A_12, %get3A_15, %dot_general3A {dimension_numbers = #tpu.dot_dimension_numbers<[1], [0], [0], [1], [0, 0, 1, 1], [], []>, transpose_lhs_hint = false} : vector<10000x128xf32>, vector<128x128xf32>, vector<10000x128xf32> -> vector<10000x128xf32>
    %get3A_17 = arith.constant 0 : index
    %get3A_18 = arith.constant 0 : index
    %get3A_19 = vector.load %arg3[%get3A_17, %get3A_18] : memref<1x128xf32, #tpu.memory_space<vmem>>, vector<1x128xf32>
    %add3A_20 = vector.broadcast %get3A_19 : vector<1x128xf32> to vector<10000x128xf32>
    %add3A_21 = arith.addf %dot_general3A_16, %add3A_20 : vector<10000x128xf32>
    %reduce_sum3A = arith.constant dense<0.000000e+00> : vector<128xf32>
    %reduce_sum3A_22 = vector.multi_reduction <add>, %add3A_21, %reduce_sum3A [0] : vector<10000x128xf32> to vector<128xf32>
    %broadcast_in_dim3A = vector.shape_cast %reduce_sum3A_22 : vector<128xf32> to vector<1x128xf32>
    %div3A = arith.constant 1.000000e+04 : f32
    %div3A_23 = vector.broadcast %div3A : f32 to vector<1x128xf32>
    %div3A_24 = arith.divf %broadcast_in_dim3A, %div3A_23 : vector<1x128xf32>
    %sub3A = vector.broadcast %div3A_24 : vector<1x128xf32> to vector<10000x128xf32>
    %sub3A_25 = arith.subf %add3A_21, %sub3A : vector<10000x128xf32>
    %mul3A = arith.mulf %sub3A_25, %sub3A_25 : vector<10000x128xf32>
    %reduce_sum3A_26 = arith.constant dense<0.000000e+00> : vector<128xf32>
    %reduce_sum3A_27 = vector.multi_reduction <add>, %mul3A, %reduce_sum3A_26 [0] : vector<10000x128xf32> to vector<128xf32>
    %broadcast_in_dim3A_28 = vector.shape_cast %reduce_sum3A_27 : vector<128xf32> to vector<1x128xf32>
    %div3A_29 = arith.constant 1.000000e+04 : f32
    %div3A_30 = vector.broadcast %div3A_29 : f32 to vector<1x128xf32>
    %div3A_31 = arith.divf %broadcast_in_dim3A_28, %div3A_30 : vector<1x128xf32>
    %get3A_32 = arith.constant 0 : index
    %get3A_33 = arith.constant 0 : index
    %get3A_34 = vector.load %arg4[%get3A_32, %get3A_33] : memref<1x128xf32, #tpu.memory_space<vmem>>, vector<1x128xf32>
    %mul3A_35 = vector.broadcast %get3A_34 : vector<1x128xf32> to vector<10000x128xf32>
    %mul3A_36 = arith.mulf %mul3A_35, %sub3A_25 : vector<10000x128xf32>
    %add3A_37 = arith.constant 9.99999974E-6 : f32
    %add3A_38 = vector.broadcast %add3A_37 : f32 to vector<1x128xf32>
    %add3A_39 = arith.addf %div3A_31, %add3A_38 : vector<1x128xf32>
    %rsqrt3A = math.rsqrt %add3A_39 : vector<1x128xf32>
    %mul3A_40 = vector.broadcast %rsqrt3A : vector<1x128xf32> to vector<10000x128xf32>
    %mul3A_41 = arith.mulf %mul3A_36, %mul3A_40 : vector<10000x128xf32>
    %get3A_42 = arith.constant 0 : index
    %get3A_43 = arith.constant 0 : index
    %get3A_44 = vector.load %arg5[%get3A_42, %get3A_43] : memref<1x128xf32, #tpu.memory_space<vmem>>, vector<1x128xf32>
    %add3A_45 = vector.broadcast %get3A_44 : vector<1x128xf32> to vector<10000x128xf32>
    %add3A_46 = arith.addf %mul3A_41, %add3A_45 : vector<10000x128xf32>
    %max3A = arith.constant 0.000000e+00 : f32
    %max3A_47 = vector.broadcast %max3A : f32 to vector<10000x128xf32>
    %max3A_48 = arith.maximumf %add3A_46, %max3A_47 : vector<10000x128xf32>
    %get3A_49 = arith.constant 0 : index
    %get3A_50 = arith.constant 0 : index
    %get3A_51 = vector.load %arg6[%get3A_49, %get3A_50] : memref<128x128xf32, #tpu.memory_space<vmem>>, vector<128x128xf32>
    %dot_general3A_52 = arith.constant dense<0.000000e+00> : vector<10000x128xf32>
    %dot_general3A_53 = tpu.matmul %max3A_48, %get3A_51, %dot_general3A_52 {dimension_numbers = #tpu.dot_dimension_numbers<[1], [0], [0], [1], [0, 0, 1, 1], [], []>, transpose_lhs_hint = false} : vector<10000x128xf32>, vector<128x128xf32>, vector<10000x128xf32> -> vector<10000x128xf32>
    %get3A_54 = arith.constant 0 : index
    %get3A_55 = arith.constant 0 : index
    %get3A_56 = vector.load %arg7[%get3A_54, %get3A_55] : memref<1x128xf32, #tpu.memory_space<vmem>>, vector<1x128xf32>
    %add3A_57 = vector.broadcast %get3A_56 : vector<1x128xf32> to vector<10000x128xf32>
    %add3A_58 = arith.addf %dot_general3A_53, %add3A_57 : vector<10000x128xf32>
    %max3A_59 = arith.constant 0.000000e+00 : f32
    %max3A_60 = vector.broadcast %max3A_59 : f32 to vector<10000x128xf32>
    %max3A_61 = arith.maximumf %add3A_58, %max3A_60 : vector<10000x128xf32>
    %iota3A = tpu.iota {dimensions = array<i32: 0>} : vector<64x10000xi32>
    %get3A_62 = arith.constant 0 : index
    %get3A_63 = arith.constant 0 : index
    %get3A_64 = vector.load %arg8[%get3A_62, %get3A_63] : memref<1x10000xi32, #tpu.memory_space<vmem>>, vector<1x10000xi32>
    %eq3A = vector.broadcast %get3A_64 : vector<1x10000xi32> to vector<64x10000xi32>
    %eq3A_65 = arith.cmpi eq, %iota3A, %eq3A : vector<64x10000xi32>
    %convert_element_type3A = arith.extui %eq3A_65 : vector<64x10000xi1> to vector<64x10000xi32>
    %convert_element_type3A_66 = arith.sitofp %convert_element_type3A : vector<64x10000xi32> to vector<64x10000xf32>
    %dot_general3A_67 = arith.constant dense<0.000000e+00> : vector<64x128xf32>
    %dot_general3A_68 = tpu.matmul %convert_element_type3A_66, %max3A_61, %dot_general3A_67 {dimension_numbers = #tpu.dot_dimension_numbers<[1], [0], [0], [1], [0, 0, 1, 1], [], []>, transpose_lhs_hint = false} : vector<64x10000xf32>, vector<10000x128xf32>, vector<64x128xf32> -> vector<64x128xf32>
    %get3A_69 = arith.constant 0 : index
    %get3A_70 = arith.constant 0 : index
    %get3A_71 = vector.load %arg9[%get3A_69, %get3A_70] : memref<128x128xf32, #tpu.memory_space<vmem>>, vector<128x128xf32>
    %dot_general3A_72 = arith.constant dense<0.000000e+00> : vector<64x128xf32>
    %dot_general3A_73 = tpu.matmul %dot_general3A_68, %get3A_71, %dot_general3A_72 {dimension_numbers = #tpu.dot_dimension_numbers<[1], [0], [0], [1], [0, 0, 1, 1], [], []>, transpose_lhs_hint = false} : vector<64x128xf32>, vector<128x128xf32>, vector<64x128xf32> -> vector<64x128xf32>
    %get3A_74 = arith.constant 0 : index
    %get3A_75 = arith.constant 0 : index
    %get3A_76 = vector.load %arg10[%get3A_74, %get3A_75] : memref<1x128xf32, #tpu.memory_space<vmem>>, vector<1x128xf32>
    %add3A_77 = vector.broadcast %get3A_76 : vector<1x128xf32> to vector<64x128xf32>
    %add3A_78 = arith.addf %dot_general3A_73, %add3A_77 : vector<64x128xf32>
    %max3A_79 = arith.constant 0.000000e+00 : f32
    %max3A_80 = vector.broadcast %max3A_79 : f32 to vector<64x128xf32>
    %max3A_81 = arith.maximumf %add3A_78, %max3A_80 : vector<64x128xf32>
    %get3A_82 = arith.constant 0 : index
    %get3A_83 = arith.constant 0 : index
    %get3A_84 = vector.load %arg11[%get3A_82, %get3A_83] : memref<128x10xf32, #tpu.memory_space<vmem>>, vector<128x10xf32>
    %dot_general3A_85 = arith.constant dense<0.000000e+00> : vector<64x10xf32>
    %dot_general3A_86 = tpu.matmul %max3A_81, %get3A_84, %dot_general3A_85 {dimension_numbers = #tpu.dot_dimension_numbers<[1], [0], [0], [1], [0, 0, 1, 1], [], []>, transpose_lhs_hint = false} : vector<64x128xf32>, vector<128x10xf32>, vector<64x10xf32> -> vector<64x10xf32>
    %get3A_87 = arith.constant 0 : index
    %get3A_88 = arith.constant 0 : index
    %get3A_89 = vector.load %arg12[%get3A_87, %get3A_88] : memref<1x10xf32, #tpu.memory_space<vmem>>, vector<1x10xf32>
    %add3A_90 = vector.broadcast %get3A_89 : vector<1x10xf32> to vector<64x10xf32>
    %add3A_91 = arith.addf %dot_general3A_86, %add3A_90 : vector<64x10xf32>
    %swap3A = arith.constant 0 : index
    %swap3A_92 = arith.constant 0 : index
    %swap3A_93 = vector.load %arg13[%swap3A, %swap3A_92] : memref<64x10xf32, #tpu.memory_space<vmem>>, vector<64x10xf32>
    tpu.vector_store %arg13[%swap3A, %swap3A_92], %add3A_91 {strides = array<i32>} : memref<64x10xf32, #tpu.memory_space<vmem>>, vector<64x10xf32>,
    return
  }
}

</mosaic_0001>

<sc_bundles>
// kernel: kernel.11.cloned.1.call-start
scs
__scs_entry_jumppad:
0x0: {  	(pc) =	sbr.rel $0x88, $3  }
0x1: {  	(tag) =	ssettag $0x0;
	lr =	simm.s32 $0x1  }
0x2: {  	[smem:$0x3F88] =	sst lr;
	_ =	strace $0xD0000000  }
0x3: {  	_ = 	snop  }
0x4: {  	_ = 	snop  }
0x5: {  	_ = 	snop  }
0x6: {  	_ = 	snop  }
0x7: {  	_ = 	snop  }
__scs_overlays_trampoline_lowered:
0x8: {  	[smem:$0x3F97] =	sst s0  }
0x9: {  	[smem:$0x3F98] =	sst s1  }
0xa: {  	[smem:$0x3F99] =	sst s2  }
0xb: {  	[smem:$0x3F9A] =	sst s3  }
0xc: {  	[smem:$0x3F9B] =	sst s4  }
0xd: {  	[smem:$0x3F9C] =	sst s5  }
0xe: {  	[smem:$0x3F9D] =	sst s6  }
0xf: {  	[smem:$0x3F9E] =	sst s7  }
0x10: {  	[smem:$0x3F9F] =	sst s8  }
0x11: {  	[smem:$0x3FA0] =	sst s9;
	s0 =	simm.s32 @!p0 $0x0  }
0x12: {  	s1 =	sld [smem:$0x3F86];
	s0 =	simm.s32 @p0 $0x1  }
0x13: {  	[smem:$0x3FA1] =	sst s0;
	s0 =	simm.s32 @!p1 $0x0  }
0x14: {  	s2 =	sld [smem:$0x3F85];
	s0 =	simm.s32 @p1 $0x1  }
0x15: {  	[smem:$0x3FA2] =	sst s0;
	s0 =	simm.s32 @!p2 $0x0  }
0x16: {  	s3 =	sld [smem:$0x3FDB];
	s0 =	simm.s32 @p2 $0x1  }
0x17: {  	s4 =	simm.s32 $0x1BF5;
	[smem:$0x3FA4] =	sst s0  }
0x18: {  	s0 =	sld [smem:$0x3F87];
	_ =	swait.ge [sflag:s4], $0x0  }
0x19: {  	s7 =	sld [smem:$0x3F88]  }
0x1a: {  	s8 =	sadd.s32 $0xFFFFE003, lr  }
0x1b: {  	s9 =	sadd.s32 $0xFFFFFEF7, lr;
	s5 =	simm.s32 $0xFFFFFFFF;
	p2 =	slt.u32 s8, $0xFFFFF086  }
0x1c: {  	p1 =	slt.u32 s9, $0xF7A;
	s5 =	simm.s32 @!p2 $0x0  }
0x1d: {  	s5 =	simm.s32 @p1 $0x1;
	p0 =	seq.s32 s7, s2  }
0x1e: {  	s7 =	smul.u32 @!p0 $0xF7A, s2;
	p2 =	seq.s32 @!p0 s5, $0x0  }
0x1f: {  	s9 =	smul.u32 $0xF7A, s1;
	s8 =	simm.s32 @!p0 $0x1BF5;
	p2 =	por !p2, p0  }
0x20: {  	[sflag:s8] =	ssyncset.s32 @!p0 $0xFFFFF086;
	s6 =	sadd.s32 @!p0 s3, s7;
	s7 =	simm.s32 @!p0 $0x108  }
0x21: {  	s3 =	sadd.s32 s3, s9;
	s6 =	sadd.s32 @!p0 $0x88, s6;
	s7 =	simm.s32 @p2 $0x1082  }
0x22: {  	[simem:s7], [sflag:s8] =	dma.local @!p0 [hbm:s6], $0xF7A  }
0x23: {  	s9 =	sor.u32 $0xD0000000, s2;
	s6 =	simm.s32 $0x108;
	_ =	swait.ge @!p0 [sflag:s8], $0x0  }
0x24: {  	s3 =	sadd.s32 $0x88, s3;
	s6 =	simm.s32 @!p1 $0x1082;
	[sflag:s4] =	ssyncset.s32 $0xFFFFF086  }
0x25: {  	[simem:s6], [sflag:s4] =	dma.local [hbm:s3], $0xF7A  }
0x26: {  	[smem:$0x3F88] =	sst s1;
	(tag) =	ssettag s2;
	_ =	strace s9  }
0x27: {  	s1 =	sld [smem:$0x3F98]  }
0x28: {  	s2 =	sld [smem:$0x3F99]  }
0x29: {  	s4 =	sld [smem:$0x3F9B]  }
0x2a: {  	p0 =	seq.s32 s5, $0x0;
	s5 =	sld [smem:$0x3F9C]  }
0x2b: {  	s6 =	sld [smem:$0x3F9D]  }
0x2c: {  	s7 =	sld [smem:$0x3F9E]  }
0x2d: {  	s3 =	simm.s32 $0x108;
	s8 =	sld [smem:$0x3F9F]  }
0x2e: {  	s3 =	simm.s32 @!p0 $0x1082;
	s9 =	sld [smem:$0x3FA0]  }
0x2f: {  	lr =	sadd.s32 s0, s3;
	s0 =	sld [smem:$0x3F97]  }
0x30: {  	s3 =	sld [smem:$0x3F9A]  }
0x31: {  	[smem:$0x3FA3] =	sst s10  }
0x32: {  	s10 =	sld [smem:$0x3FA1];
	_ =	sdelay $0x3  }
0x33: {  	p0 =	seq.s32 s10, $0x1;
	s10 =	sld [smem:$0x3FA3];
	_ =	sdelay $0x3  }
0x34: {  	[smem:$0x3FA3] =	sst s10  }
0x35: {  	s10 =	sld [smem:$0x3FA2];
	_ =	sdelay $0x3  }
0x36: {  	p1 =	seq.s32 s10, $0x1;
	s10 =	sld [smem:$0x3FA3];
	_ =	sdelay $0x3  }
0x37: {  	[smem:$0x3FA3] =	sst s10  }
0x38: {  	s10 =	sld [smem:$0x3FA4]  }
0x39: {  	_ = 	snop;
	(pc) =	sbr.ind lr, $3  }
0x3a: {  	_ = 	snop  }
0x3b: {  	_ = 	snop  }
0x3c: {  	p2 =	seq.s32 s10, $0x1;
	s10 =	sld [smem:$0x3FA3]  }
0x3d: {  	_ =	shalt  }
0x3e: {  	_ =	shalt  }
0x3f: {  	_ =	shalt  }
0x40: {  	_ =	shalt  }
0x41: {  	_ =	shalt  }
0x42: {  	_ =	shalt  }
0x43: {  	_ =	shalt  }
0x44: {  	_ =	shalt  }
0x45: {  	_ =	shalt  }
0x46: {  	_ =	shalt  }
0x47: {  	_ =	shalt  }
0x48: {  	_ =	shalt  }
0x49: {  	_ =	shalt  }
0x4a: {  	_ =	shalt  }
0x4b: {  	_ =	shalt  }
0x4c: {  	_ =	shalt  }
0x4d: {  	_ =	shalt  }
0x4e: {  	_ =	shalt  }
0x4f: {  	_ =	shalt  }
0x50: {  	_ =	shalt  }
0x51: {  	_ =	shalt  }
0x52: {  	_ =	shalt  }
0x53: {  	_ =	shalt  }
0x54: {  	_ =	shalt  }
0x55: {  	_ =	shalt  }
0x56: {  	_ =	shalt  }
0x57: {  	_ =	shalt  }
0x58: {  	_ =	shalt  }
0x59: {  	_ =	shalt  }
0x5a: {  	_ =	shalt  }
0x5b: {  	_ =	shalt  }
0x5c: {  	_ =	shalt  }
0x5d: {  	_ =	shalt  }
0x5e: {  	_ =	shalt  }
0x5f: {  	_ =	shalt  }
0x60: {  	_ =	shalt  }
0x61: {  	_ =	shalt  }
0x62: {  	_ =	shalt  }
0x63: {  	_ =	shalt  }
0x64: {  	_ =	shalt  }
0x65: {  	_ =	shalt  }
0x66: {  	_ =	shalt  }
0x67: {  	_ =	shalt  }
0x68: {  	_ =	shalt  }
0x69: {  	_ =	shalt  }
0x6a: {  	_ =	shalt  }
0x6b: {  	_ =	shalt  }
0x6c: {  	_ =	shalt  }
0x6d: {  	_ =	shalt  }
0x6e: {  	_ =	shalt  }
0x6f: {  	_ =	shalt  }
0x70: {  	_ =	shalt  }
0x71: {  	_ =	shalt  }
0x72: {  	_ =	shalt  }
0x73: {  	_ =	shalt  }
0x74: {  	_ =	shalt  }
0x75: {  	_ =	shalt  }
0x76: {  	_ =	shalt  }
0x77: {  	_ =	shalt  }
0x78: {  	_ =	shalt  }
0x79: {  	_ =	shalt  }
0x7a: {  	_ =	shalt  }
0x7b: {  	_ =	shalt  }
0x7c: {  	_ =	shalt  }
0x7d: {  	_ =	shalt  }
0x7e: {  	_ =	shalt  }
0x7f: {  	_ =	shalt  }
0x80: {  	_ =	shalt  }
0x81: {  	_ =	shalt  }
0x82: {  	_ =	shalt  }
0x83: {  	_ =	shalt  }
0x84: {  	_ =	shalt  }
0x85: {  	_ =	shalt  }
0x86: {  	_ =	shalt  }
0x87: {  	_ =	shalt  }
.Lfunc_end0:
.L_simem_size_0:
called_computation.1_lowered:
.L_overlay_start_0:
0x88: {  	s2 =	sld [smem:$0x3FD9]  }
0x89: {  	s3 =	sld [smem:$0x3FFE];
	_ =	sdelay $0x1  }
0x8a: {  	s1 =	srdreg.scid  }
0x8b: {  	s0 =	sand.u32 $0x1, s1  }
0x8c: {  	s16 =	sshll.u32 s0, $0xA;
	s2 =	sadd.s32 s3, s2  }
0x8d: {  	s2 =	sadd.s32 s2, s16  }
0x8e: {  	[smem:$0x3FAF] =	sst s2  }
0x8f: {  	_ = 	snop  }
0x90: {  	(tm) =	ssettm $0x1  }
0x91: {  	s17 =	sld [smem:$0x3FFB];
	_ =	sdelay $0x3  }
0x92: {  	_ =	strace s17  }
0x93: {  	s2 =	sld [smem:$0x3FFC];
	_ =	sdelay $0x3  }
0x94: {  	_ =	strace s2  }
0x95: {  	s2 =	sld [smem:$0x3FFD];
	_ =	sdelay $0x3  }
0x96: {  	_ =	strace s2  }
0x97: {  	_ =	strace $0x8FFFFFFF  }
0x98: {  	s18 =	sld [smem:$0x3FDB];
	_ =	sdelay $0x1  }
0x99: {  	s19 =	simm.s32 $_scs_section_size  }
0x9a: {  	s4 =	simm.s32 $_size__tile_overlayer_lowered;
	s5 =	simm.s32 $_tile_overlayer_lowered  }
0x9b: {  	s22 =	simm.s32 $0x1BFF;
	s21 =	sshll.u32 s5, $0x1;
	s2 =	sadd.s32 s19, s18  }
0x9c: {  	s6 =	simm.s32 $0x0;
	s20 =	sshll.u32 s4, $0x1;
	s4 =	sadd.s32 s21, s2  }
0x9d: {  	[timem:s6], [sflag:s22] =	dma.local [hbm:s4], s20  }
0x9e: {  	_ =	swait.ge [sflag:s22], s20  }
0x9f: {  	s3 =	ssub.s32 $0x0, s20;
	[sflag:s22] =	ssyncset.done $0x0  }
0xa0: {  	[sflag:s22] =	ssyncadd.s32 s3;
	_ =	sdelay $0x1  }
0xa1: {  	s23 =	simm.s32 $0x1B8B  }
0xa2: {  	_ =	swait.ge [sflag:s23], $0x1  }
0xa3: {  	[sflag:s23] =	ssyncset.done $0x0  }
0xa4: {  	s25 =	simm.s32 $0x1B8E;
	s24 =	sld [smem:$0x3FFE];
	[sflag:s23] =	ssyncadd.s32 $0xFFFFFFFF  }
0xa5: {  	s26 =	simm.s32 $execute0_lowered;
	[smem:$0x3FD2] =	sst s25  }
0xa6: {  	s4 =	sshll.u32 s26, $0x1;
	_ =	strace $0x80000049;
	[dreg:$0x1] =	wrdreg $0xFFFFFFFF  }
0xa7: {  	s28 =	simm.s32 $_size_execute0_lowered;
	s2 =	sadd.s32 s2, s4;
	[dreg:$0x0] =	wrdreg $0x0  }
0xa8: {  	s4 =	sshll.u32 s28, $0x1;
	[dreg:$0x2] =	wrdreg s2  }
0xa9: {  	[dreg:$0x3] =	wrdreg s4  }
0xaa: {  	[dreg:$0x4] =	wrdreg $0xC0  }
0xab: {  	_ =	task [dreg:s6], $0x5FFFF  }
0xac: {  	[dreg:$0x1] =	wrdreg $0xFFFFFFFF  }
0xad: {  	[dreg:$0x0] =	wrdreg $0x60  }
0xae: {  	[dreg:$0x2] =	wrdreg s24  }
0xaf: {  	[dreg:$0x3] =	wrdreg $0x41000  }
0xb0: {  	[dreg:$0x4] =	wrdreg $0x9  }
0xb1: {  	_ =	task.clear_ibuf [dreg:s6], $0x5FFFF;
	_ =	strace $0x90000049  }
0xb2: {  	s29 =	simm.s32 $0x9;
	_ =	strace $0x8000004B  }
0xb3: {  	_ =	swait.ge [sflag:s29], $0x1  }
0xb4: {  	[sflag:s29] =	ssyncadd.s32 $0xFFFFFFFF  }
0xb5: {  	_ =	strace $0x9000004B  }
0xb6: {  	_ =	sfence  }
0xb7: {  	s30 =	sld [smem:$0x0];
	_ =	sdelay $0x2  }
0xb8: {  	s31 =	sshll.u32 s1, $0xD;
	s1 =	sshrl.u32 s1, $0x2  }
0xb9: {  	s3 =	sand.u32 $0x4000, s31;
	s1 =	sadd.s32 s1, s30  }
0xba: {  	s0 =	sor.u32 s3, s0;
	s1 =	sshll.u32 s1, $0x11  }
0xbb: {  	s0 =	sor.u32 s1, s0  }
0xbc: {  	s0 =	sadd.s32 $0x8F2B, s0  }
0xbd: {  	[sflag:s0] =	ssyncadd.remote.s32 $0x1  }
0xbe: {  	_ =	sfence.sel $0xFFFF  }
0xbf: {  	[dreg:$0x0] =	wrdreg $0xFFFFFFFF;
	(pc) =	sbr.abs _section_cstart, $3  }
0xc0: {  	[dreg:$0x1] =	wrdreg $0xFFFFFFFF  }
0xc1: {  	_ =	task.clear_ibuf [dreg:s6], $0x2FFFF;
	_ =	strace $0x9FFFFFFF  }
0xc2: {  	(tm) =	ssettm $0x7FFFFFFF  }
0xc3: {  	_ =	shalt  }
tec
execute0_lowered:
.L_overlay_start_1:
0x0: {  	(tag) =	ssettag $0x1  }
0x1: {  	s5 =	rddreg [dreg:$0x0]  }
0x2: {  	s2 =	rddreg [dreg:$0x1]  }
0x3: {  	s0 =	rddreg [dreg:$0x2]  }
0x4: {  	s1 =	stileid.u32;
	s4 =	srdreg.scid;
	s3 =	simm.s32 $0x0  }
0x5: {  	s14 =	simm.s32 $0x1;
	s15 =	simm.s32 $0x0;
	s6 =	smul.u32 $0x13C0, s1  }
0x6: {  	s7 =	smul.u32 $0x13C00, s1;
	s8 =	sand.u32 $0x1, s4;
	[smem:$0x7FF] =	sst s3  }
0x7: {  	s4 =	sadd.s32 $0x3FC00, s5;
	s26 =	smul.u32 $0x4F000, s1;
	s30 =	sshll.u32 s1, $0x6  }
0x8: {  	s9 =	smul.u32 $0x13C000, s8;
	_ =	strace $0x8000004A;
	s28 =	ssub.s32 $0x2, s8  }
0x9: {  	s8 =	smul.u32 $0x9E0, s8;
	s10 =	sadd.s32 s6, s5;
	s29 =	sshrl.u32 s28, $0x1  }
0xa: {  	s25 =	sadd.s32 s7, s9;
	s7 =	sshrl.u32 s7, $0x3;
	s9 =	sshrl.u32 s26, $0x2  }
0xb: {  	s12 =	ssub.s32 s28, s29;
	s31 =	sadd.s32 s8, s10;
	s6 =	sshrl.u32 s25, $0x3  }
0xc: {  	s7 =	sadd.s32 s7, s5;
	s13 =	sadd.s32 s9, s2;
	s8 =	smax.u32 s12, $0x1  }
0xd: {  	s9 =	sadd.s32 $0x4800, s31;
	s12 =	simm.s32 $0x80;
	s11 =	sadd.s32 s6, s5  }
0xe: {  	s5 =	sadd.s32 $0x18400, s7;
	s6 =	sor.u32 $0x1C02, s30;
	s10 =	sshrl.u32 s13, $0x3  }
0xf: {  	s13 =	simm.s32 $0x100;
	s7 =	sadd.s32 $0x66E00, s11;
	s11 =	simm.s32 $0x2  }
.LBB2_1:
0x10: {  	[spmem:s10], [sflag:s6] =	dma.local [hbm:s5], $0x2780  }
0x11: {  	_ =	swait.ge [sflag:s11], $0x2780  }
0x12: {  	[sflag:s11] =	ssyncset.done $0x0  }
0x13: {  	[sflag:s11] =	ssyncadd.s32 $0xFFFFD880  }
0x14: {  	s16 =	sadd.s32 $0x0, s9;
	[bflag:$0x0] =	sbarrier.arrive $0xFFFF  }
0x15: {  	[tilespmem:s3], [sflag:$0x2] =	stream.linear.gather [hbm4b:s16+s3], $0x100, $0x38;
	[tilespmem:$0x17D00] =	vst v63  }
0x16: {  	_ =	swait.ge [sflag:s11], $0x100  }
0x17: {  	[sflag:s11] =	ssyncset.done $0x0  }
0x18: {  	[sflag:s11] =	ssyncadd.s32 $0xFFFFFF00  }
0x19: {  	[tilespmem:s13], [sflag:$0x1] =	stream.indirect.gather [hbm4b:s4+s12], $0x80, s3, s12, $0xb8;
	[tilespmem:$0x17D00] =	vst v63  }
0x1a: {  	_ =	swait.ge [sflag:s14], $0x4000  }
0x1b: {  	[sflag:s14] =	ssyncset.done $0x0  }
0x1c: {  	[sflag:s14] =	ssyncadd.s32 $0xFFFFC000  }
0x1d: {  	[spmem:s2] =	stream.indirect.scatter.add.f32 [tilespmem:s13], [sflag:$0x2], $0x80, s12, s12, $0xb8;
	[tilespmem:$0x17D00] =	vst v63  }
0x1e: {  	_ =	swait.ge [sflag:s11], $0x4000  }
0x1f: {  	s17 =	simm.s32 $0x40;
	s16 =	simm.s32 $0x20;
	[sflag:s11] =	ssyncset.done $0x0  }
.LBB2_2:
0x20: {  	s18 =	sadd.s32 s16, s9  }
0x21: {  	[sflag:s11] =	ssyncadd.s32 $0xFFFFC000;
	s16 =	smov.u32 s17;
	s19 =	sadd.s32 $0x20, s17  }
0x22: {  	[tilespmem:s3], [sflag:$0x2] =	stream.linear.gather [hbm4b:s18+s3], $0x100, $0x38;
	[tilespmem:$0x17D00] =	vst v63  }
0x23: {  	p0 =	sne.s32 s17, $0x9C0;
	_ =	swait.ge [sflag:s11], $0x100  }
0x24: {  	[sflag:s11] =	ssyncset.done $0x0  }
0x25: {  	[sflag:s11] =	ssyncadd.s32 $0xFFFFFF00  }
0x26: {  	[tilespmem:s13], [sflag:$0x1] =	stream.indirect.gather [hbm4b:s4+s12], $0x80, s3, s12, $0xb8;
	[tilespmem:$0x17D00] =	vst v63  }
0x27: {  	_ =	swait.ge [sflag:s14], $0x4000  }
.Ltmp0:
0x28: {  	[sflag:s14] =	ssyncset.done $0x0;
	(pc) =	sbr.rel @p0 .LBB2_2-.Ltmp0, $4  }
0x29: {  	[sflag:s14] =	ssyncadd.s32 $0xFFFFC000  }
0x2a: {  	[spmem:s2] =	stream.indirect.scatter.add.f32 [tilespmem:s13], [sflag:$0x2], $0x80, s12, s12, $0xb8;
	[tilespmem:$0x17D00] =	vst v63  }
0x2b: {  	_ =	swait.ge [sflag:s11], $0x4000  }
0x2c: {  	s17 =	smov.u32 s19;
	[sflag:s11] =	ssyncset.done $0x0  }
0x2d: {  	s16 =	sadd.s32 s16, s9;
	[sflag:s11] =	ssyncadd.s32 $0xFFFFC000  }
0x2e: {  	[tilespmem:s3], [sflag:$0x2] =	stream.linear.gather [hbm4b:s16+s3], $0x100, $0x38;
	[tilespmem:$0x17D00] =	vst v63  }
0x2f: {  	_ =	swait.ge [sflag:s11], $0x100  }
0x30: {  	[sflag:s11] =	ssyncset.done $0x0  }
0x31: {  	[sflag:s11] =	ssyncadd.s32 $0xFFFFFF00  }
0x32: {  	[tilespmem:s13], [sflag:$0x1] =	stream.indirect.gather [hbm4b:s4+s12], $0x80, s3, s12, $0xb8;
	[tilespmem:$0x17D00] =	vst v63  }
0x33: {  	_ =	swait.ge [sflag:s14], $0x4000  }
0x34: {  	[sflag:s14] =	ssyncset.done $0x0  }
0x35: {  	[sflag:s14] =	ssyncadd.s32 $0xFFFFC000  }
0x36: {  	[spmem:s2] =	stream.indirect.scatter.add.f32 [tilespmem:s13], [sflag:$0x2], $0x80, s12, s12, $0xb8;
	[tilespmem:$0x17D00] =	vst v63  }
0x37: {  	_ =	swait.ge [sflag:s11], $0x4000  }
0x38: {  	s15 =	sadd.s32 $0x1, s15;
	[sflag:s11] =	ssyncset.done $0x0  }
0x39: {  	p0 =	sne.s32 s15, s8;
	[sflag:s11] =	ssyncadd.s32 $0xFFFFC000  }
.Ltmp1:
0x3a: {  	[bflag:$0x0] =	sbarrier.arrive $0xFFFF;
	(pc) =	sbr.rel @p0 .LBB2_1-.Ltmp1, $4  }
0x3b: {  	[hbm:s7], [sflag:s6] =	dma.local [spmem:s10], $0x2780  }
0x3c: {  	_ =	swait.ge [sflag:s11], $0x2780  }
0x3d: {  	[sflag:s11] =	ssyncset.done $0x0  }
0x3e: {  	[sflag:s11] =	ssyncadd.s32 $0xFFFFD880  }
0x3f: {  	_ =	sfence.sel $0x180000  }
0x40: {  	[bflag:$0x0] =	sbarrier.arrive $0xFFFF  }
0x41: {  	p0 =	sne.s32 s1, $0x0;
	_ =	strace $0x9000004A  }
0x42: {  	s0 =	sadd.s32 @!p0 $0x100000, s0;
	[bflag:$0x2] =	sbarrier.arrive $0xFFFF  }
0x43: {  	[sflag:s0] =	ssyncadd.tile.s32 @!p0 $0x1;
	_ =	shalt  }
.Lfunc_end2:
_tile_overlayer_lowered:
.L_overlay_start_2:
0x44: {  	(tag) =	ssettag $0x2  }
0x45: {  	s0 =	rddreg [dreg:$0x0];
	s2 =	stileid.u32  }
0x46: {  	s1 =	rddreg [dreg:$0x1];
	p0 =	sne.s32 s2, $0x0  }
0x47: {  	s3 =	rddreg [dreg:$0x2];
	[bflag:$0x3] =	sbarrier.arrive $0xFFFF;
	s2 =	simm.s32 @!p0 $0x1C02  }
0x48: {  	[timem:s3], [sflag:s2] =	dma.local @!p0 [hbm:s0], s1  }
0x49: {  	s0 =	simm.s32 @!p0 $0x2  }
0x4a: {  	_ =	swait.ge @!p0 [sflag:s0], s1  }
0x4b: {  	s1 =	ssub.s32 @!p0 $0x0, s1;
	[sflag:s0] =	ssyncset.done @!p0 $0x0  }
0x4c: {  	[sflag:s0] =	ssyncadd.s32 @!p0 s1  }
0x4d: {  	[bflag:$0x3] =	sbarrier.arrive $0xFFFF  }
0x4e: {  	_ =	shalt  }

// kernel: kernel.14.cloned.1.call-start
scs
__scs_entry_jumppad:
0x0: {  	(pc) =	sbr.rel $0x88, $3  }
0x1: {  	(tag) =	ssettag $0x0;
	lr =	simm.s32 $0x1  }
0x2: {  	[smem:$0x3F88] =	sst lr;
	_ =	strace $0xD0000000  }
0x3: {  	_ = 	snop  }
0x4: {  	_ = 	snop  }
0x5: {  	_ = 	snop  }
0x6: {  	_ = 	snop  }
0x7: {  	_ = 	snop  }
__scs_overlays_trampoline_lowered:
0x8: {  	[smem:$0x3F97] =	sst s0  }
0x9: {  	[smem:$0x3F98] =	sst s1  }
0xa: {  	[smem:$0x3F99] =	sst s2  }
0xb: {  	[smem:$0x3F9A] =	sst s3  }
0xc: {  	[smem:$0x3F9B] =	sst s4  }
0xd: {  	[smem:$0x3F9C] =	sst s5  }
0xe: {  	[smem:$0x3F9D] =	sst s6  }
0xf: {  	[smem:$0x3F9E] =	sst s7  }
0x10: {  	[smem:$0x3F9F] =	sst s8  }
0x11: {  	[smem:$0x3FA0] =	sst s9;
	s0 =	simm.s32 @!p0 $0x0  }
0x12: {  	s1 =	sld [smem:$0x3F86];
	s0 =	simm.s32 @p0 $0x1  }
0x13: {  	[smem:$0x3FA1] =	sst s0;
	s0 =	simm.s32 @!p1 $0x0  }
0x14: {  	s2 =	sld [smem:$0x3F85];
	s0 =	simm.s32 @p1 $0x1  }
0x15: {  	[smem:$0x3FA2] =	sst s0;
	s0 =	simm.s32 @!p2 $0x0  }
0x16: {  	s3 =	sld [smem:$0x3FDB];
	s0 =	simm.s32 @p2 $0x1  }
0x17: {  	s4 =	simm.s32 $0x1BF5;
	[smem:$0x3FA4] =	sst s0  }
0x18: {  	s0 =	sld [smem:$0x3F87];
	_ =	swait.ge [sflag:s4], $0x0  }
0x19: {  	s7 =	sld [smem:$0x3F88]  }
0x1a: {  	s8 =	sadd.s32 $0xFFFFE003, lr  }
0x1b: {  	s9 =	sadd.s32 $0xFFFFFEF7, lr;
	s5 =	simm.s32 $0xFFFFFFFF;
	p2 =	slt.u32 s8, $0xFFFFF086  }
0x1c: {  	p1 =	slt.u32 s9, $0xF7A;
	s5 =	simm.s32 @!p2 $0x0  }
0x1d: {  	s5 =	simm.s32 @p1 $0x1;
	p0 =	seq.s32 s7, s2  }
0x1e: {  	s7 =	smul.u32 @!p0 $0xF7A, s2;
	p2 =	seq.s32 @!p0 s5, $0x0  }
0x1f: {  	s9 =	smul.u32 $0xF7A, s1;
	s8 =	simm.s32 @!p0 $0x1BF5;
	p2 =	por !p2, p0  }
0x20: {  	[sflag:s8] =	ssyncset.s32 @!p0 $0xFFFFF086;
	s6 =	sadd.s32 @!p0 s3, s7;
	s7 =	simm.s32 @!p0 $0x108  }
0x21: {  	s3 =	sadd.s32 s3, s9;
	s6 =	sadd.s32 @!p0 $0x88, s6;
	s7 =	simm.s32 @p2 $0x1082  }
0x22: {  	[simem:s7], [sflag:s8] =	dma.local @!p0 [hbm:s6], $0xF7A  }
0x23: {  	s9 =	sor.u32 $0xD0000000, s2;
	s6 =	simm.s32 $0x108;
	_ =	swait.ge @!p0 [sflag:s8], $0x0  }
0x24: {  	s3 =	sadd.s32 $0x88, s3;
	s6 =	simm.s32 @!p1 $0x1082;
	[sflag:s4] =	ssyncset.s32 $0xFFFFF086  }
0x25: {  	[simem:s6], [sflag:s4] =	dma.local [hbm:s3], $0xF7A  }
0x26: {  	[smem:$0x3F88] =	sst s1;
	(tag) =	ssettag s2;
	_ =	strace s9  }
0x27: {  	s1 =	sld [smem:$0x3F98]  }
0x28: {  	s2 =	sld [smem:$0x3F99]  }
0x29: {  	s4 =	sld [smem:$0x3F9B]  }
0x2a: {  	p0 =	seq.s32 s5, $0x0;
	s5 =	sld [smem:$0x3F9C]  }
0x2b: {  	s6 =	sld [smem:$0x3F9D]  }
0x2c: {  	s7 =	sld [smem:$0x3F9E]  }
0x2d: {  	s3 =	simm.s32 $0x108;
	s8 =	sld [smem:$0x3F9F]  }
0x2e: {  	s3 =	simm.s32 @!p0 $0x1082;
	s9 =	sld [smem:$0x3FA0]  }
0x2f: {  	lr =	sadd.s32 s0, s3;
	s0 =	sld [smem:$0x3F97]  }
0x30: {  	s3 =	sld [smem:$0x3F9A]  }
0x31: {  	[smem:$0x3FA3] =	sst s10  }
0x32: {  	s10 =	sld [smem:$0x3FA1];
	_ =	sdelay $0x3  }
0x33: {  	p0 =	seq.s32 s10, $0x1;
	s10 =	sld [smem:$0x3FA3];
	_ =	sdelay $0x3  }
0x34: {  	[smem:$0x3FA3] =	sst s10  }
0x35: {  	s10 =	sld [smem:$0x3FA2];
	_ =	sdelay $0x3  }
0x36: {  	p1 =	seq.s32 s10, $0x1;
	s10 =	sld [smem:$0x3FA3];
	_ =	sdelay $0x3  }
0x37: {  	[smem:$0x3FA3] =	sst s10  }
0x38: {  	s10 =	sld [smem:$0x3FA4]  }
0x39: {  	_ = 	snop;
	(pc) =	sbr.ind lr, $3  }
0x3a: {  	_ = 	snop  }
0x3b: {  	_ = 	snop  }
0x3c: {  	p2 =	seq.s32 s10, $0x1;
	s10 =	sld [smem:$0x3FA3]  }
0x3d: {  	_ =	shalt  }
0x3e: {  	_ =	shalt  }
0x3f: {  	_ =	shalt  }
0x40: {  	_ =	shalt  }
0x41: {  	_ =	shalt  }
0x42: {  	_ =	shalt  }
0x43: {  	_ =	shalt  }
0x44: {  	_ =	shalt  }
0x45: {  	_ =	shalt  }
0x46: {  	_ =	shalt  }
0x47: {  	_ =	shalt  }
0x48: {  	_ =	shalt  }
0x49: {  	_ =	shalt  }
0x4a: {  	_ =	shalt  }
0x4b: {  	_ =	shalt  }
0x4c: {  	_ =	shalt  }
0x4d: {  	_ =	shalt  }
0x4e: {  	_ =	shalt  }
0x4f: {  	_ =	shalt  }
0x50: {  	_ =	shalt  }
0x51: {  	_ =	shalt  }
0x52: {  	_ =	shalt  }
0x53: {  	_ =	shalt  }
0x54: {  	_ =	shalt  }
0x55: {  	_ =	shalt  }
0x56: {  	_ =	shalt  }
0x57: {  	_ =	shalt  }
0x58: {  	_ =	shalt  }
0x59: {  	_ =	shalt  }
0x5a: {  	_ =	shalt  }
0x5b: {  	_ =	shalt  }
0x5c: {  	_ =	shalt  }
0x5d: {  	_ =	shalt  }
0x5e: {  	_ =	shalt  }
0x5f: {  	_ =	shalt  }
0x60: {  	_ =	shalt  }
0x61: {  	_ =	shalt  }
0x62: {  	_ =	shalt  }
0x63: {  	_ =	shalt  }
0x64: {  	_ =	shalt  }
0x65: {  	_ =	shalt  }
0x66: {  	_ =	shalt  }
0x67: {  	_ =	shalt  }
0x68: {  	_ =	shalt  }
0x69: {  	_ =	shalt  }
0x6a: {  	_ =	shalt  }
0x6b: {  	_ =	shalt  }
0x6c: {  	_ =	shalt  }
0x6d: {  	_ =	shalt  }
0x6e: {  	_ =	shalt  }
0x6f: {  	_ =	shalt  }
0x70: {  	_ =	shalt  }
0x71: {  	_ =	shalt  }
0x72: {  	_ =	shalt  }
0x73: {  	_ =	shalt  }
0x74: {  	_ =	shalt  }
0x75: {  	_ =	shalt  }
0x76: {  	_ =	shalt  }
0x77: {  	_ =	shalt  }
0x78: {  	_ =	shalt  }
0x79: {  	_ =	shalt  }
0x7a: {  	_ =	shalt  }
0x7b: {  	_ =	shalt  }
0x7c: {  	_ =	shalt  }
0x7d: {  	_ =	shalt  }
0x7e: {  	_ =	shalt  }
0x7f: {  	_ =	shalt  }
0x80: {  	_ =	shalt  }
0x81: {  	_ =	shalt  }
0x82: {  	_ =	shalt  }
0x83: {  	_ =	shalt  }
0x84: {  	_ =	shalt  }
0x85: {  	_ =	shalt  }
0x86: {  	_ =	shalt  }
0x87: {  	_ =	shalt  }
.Lfunc_end0:
.L_simem_size_0:
called_computation.2_lowered:
.L_overlay_start_0:
0x88: {  	s2 =	sld [smem:$0x3FD9]  }
0x89: {  	s3 =	sld [smem:$0x3FFE];
	_ =	sdelay $0x1  }
0x8a: {  	s1 =	srdreg.scid  }
0x8b: {  	s0 =	sand.u32 $0x1, s1  }
0x8c: {  	s16 =	sshll.u32 s0, $0xA;
	s2 =	sadd.s32 s3, s2  }
0x8d: {  	s2 =	sadd.s32 s2, s16  }
0x8e: {  	[smem:$0x3FAF] =	sst s2  }
0x8f: {  	_ = 	snop  }
0x90: {  	(tm) =	ssettm $0x1  }
0x91: {  	s17 =	sld [smem:$0x3FFB];
	_ =	sdelay $0x3  }
0x92: {  	_ =	strace s17  }
0x93: {  	s2 =	sld [smem:$0x3FFC];
	_ =	sdelay $0x3  }
0x94: {  	_ =	strace s2  }
0x95: {  	s2 =	sld [smem:$0x3FFD];
	_ =	sdelay $0x3  }
0x96: {  	_ =	strace s2  }
0x97: {  	_ =	strace $0x8FFFFFFF  }
0x98: {  	s18 =	sld [smem:$0x3FDB];
	_ =	sdelay $0x1  }
0x99: {  	s19 =	simm.s32 $_scs_section_size  }
0x9a: {  	s4 =	simm.s32 $_size__tile_overlayer_lowered;
	s5 =	simm.s32 $_tile_overlayer_lowered  }
0x9b: {  	s22 =	simm.s32 $0x1BFF;
	s21 =	sshll.u32 s5, $0x1;
	s2 =	sadd.s32 s19, s18  }
0x9c: {  	s6 =	simm.s32 $0x0;
	s20 =	sshll.u32 s4, $0x1;
	s4 =	sadd.s32 s21, s2  }
0x9d: {  	[timem:s6], [sflag:s22] =	dma.local [hbm:s4], s20  }
0x9e: {  	_ =	swait.ge [sflag:s22], s20  }
0x9f: {  	s3 =	ssub.s32 $0x0, s20;
	[sflag:s22] =	ssyncset.done $0x0  }
0xa0: {  	[sflag:s22] =	ssyncadd.s32 s3;
	_ =	sdelay $0x1  }
0xa1: {  	s23 =	simm.s32 $0x1B8B  }
0xa2: {  	_ =	swait.ge [sflag:s23], $0x1  }
0xa3: {  	[sflag:s23] =	ssyncset.done $0x0  }
0xa4: {  	s25 =	simm.s32 $0x1B8E;
	s24 =	sld [smem:$0x3FFE];
	[sflag:s23] =	ssyncadd.s32 $0xFFFFFFFF  }
0xa5: {  	s26 =	simm.s32 $execute0_lowered;
	[smem:$0x3FD2] =	sst s25  }
0xa6: {  	s4 =	sshll.u32 s26, $0x1;
	_ =	strace $0x8000004C;
	[dreg:$0x1] =	wrdreg $0xFFFFFFFF  }
0xa7: {  	s28 =	simm.s32 $_size_execute0_lowered;
	s2 =	sadd.s32 s2, s4;
	[dreg:$0x0] =	wrdreg $0x0  }
0xa8: {  	s4 =	sshll.u32 s28, $0x1;
	[dreg:$0x2] =	wrdreg s2  }
0xa9: {  	[dreg:$0x3] =	wrdreg s4  }
0xaa: {  	[dreg:$0x4] =	wrdreg $0xC0  }
0xab: {  	_ =	task [dreg:s6], $0x5FFFF  }
0xac: {  	[dreg:$0x1] =	wrdreg $0xFFFFFFFF  }
0xad: {  	[dreg:$0x0] =	wrdreg $0x60  }
0xae: {  	[dreg:$0x2] =	wrdreg s24  }
0xaf: {  	[dreg:$0x3] =	wrdreg $0x41000  }
0xb0: {  	[dreg:$0x4] =	wrdreg $0x9  }
0xb1: {  	_ =	task.clear_ibuf [dreg:s6], $0x5FFFF;
	_ =	strace $0x9000004C  }
0xb2: {  	s29 =	simm.s32 $0x9;
	_ =	strace $0x8000004E  }
0xb3: {  	_ =	swait.ge [sflag:s29], $0x1  }
0xb4: {  	[sflag:s29] =	ssyncadd.s32 $0xFFFFFFFF  }
0xb5: {  	_ =	strace $0x9000004E  }
0xb6: {  	_ =	sfence  }
0xb7: {  	s30 =	sld [smem:$0x0];
	_ =	sdelay $0x2  }
0xb8: {  	s31 =	sshll.u32 s1, $0xD;
	s1 =	sshrl.u32 s1, $0x2  }
0xb9: {  	s3 =	sand.u32 $0x4000, s31;
	s1 =	sadd.s32 s1, s30  }
0xba: {  	s0 =	sor.u32 s3, s0;
	s1 =	sshll.u32 s1, $0x11  }
0xbb: {  	s0 =	sor.u32 s1, s0  }
0xbc: {  	s0 =	sadd.s32 $0x8F2B, s0  }
0xbd: {  	[sflag:s0] =	ssyncadd.remote.s32 $0x1  }
0xbe: {  	_ =	sfence.sel $0xFFFF  }
0xbf: {  	[dreg:$0x0] =	wrdreg $0xFFFFFFFF;
	(pc) =	sbr.abs _section_cstart, $3  }
0xc0: {  	[dreg:$0x1] =	wrdreg $0xFFFFFFFF  }
0xc1: {  	_ =	task.clear_ibuf [dreg:s6], $0x2FFFF;
	_ =	strace $0x9FFFFFFF  }
0xc2: {  	(tm) =	ssettm $0x7FFFFFFF  }
0xc3: {  	_ =	shalt  }
tec
execute0_lowered:
.L_overlay_start_1:
0x0: {  	(tag) =	ssettag $0x1  }
0x1: {  	s5 =	rddreg [dreg:$0x0]  }
0x2: {  	s2 =	rddreg [dreg:$0x1]  }
0x3: {  	s0 =	rddreg [dreg:$0x2]  }
0x4: {  	s1 =	stileid.u32;
	s4 =	srdreg.scid;
	s3 =	simm.s32 $0x0  }
0x5: {  	s14 =	simm.s32 $0x1;
	s15 =	simm.s32 $0x0;
	s6 =	smul.u32 $0x13C0, s1  }
0x6: {  	s7 =	smul.u32 $0x13C00, s1;
	s8 =	sand.u32 $0x1, s4;
	[smem:$0x7FF] =	sst s3  }
0x7: {  	s4 =	sadd.s32 $0x3FC00, s5;
	s26 =	smul.u32 $0x4F000, s1;
	s30 =	sshll.u32 s1, $0x6  }
0x8: {  	s9 =	smul.u32 $0x13C000, s8;
	_ =	strace $0x8000004D;
	s28 =	ssub.s32 $0x2, s8  }
0x9: {  	s8 =	smul.u32 $0x9E0, s8;
	s10 =	sadd.s32 s6, s5;
	s29 =	sshrl.u32 s28, $0x1  }
0xa: {  	s25 =	sadd.s32 s7, s9;
	s7 =	sshrl.u32 s7, $0x3;
	s9 =	sshrl.u32 s26, $0x2  }
0xb: {  	s12 =	ssub.s32 s28, s29;
	s31 =	sadd.s32 s8, s10;
	s6 =	sshrl.u32 s25, $0x3  }
0xc: {  	s7 =	sadd.s32 s7, s5;
	s13 =	sadd.s32 s9, s2;
	s8 =	smax.u32 s12, $0x1  }
0xd: {  	s9 =	sadd.s32 $0x4800, s31;
	s12 =	simm.s32 $0x80;
	s11 =	sadd.s32 s6, s5  }
0xe: {  	s5 =	sadd.s32 $0x18400, s7;
	s6 =	sor.u32 $0x1C02, s30;
	s10 =	sshrl.u32 s13, $0x3  }
0xf: {  	s13 =	simm.s32 $0x100;
	s7 =	sadd.s32 $0x66E00, s11;
	s11 =	simm.s32 $0x2  }
.LBB2_1:
0x10: {  	[spmem:s10], [sflag:s6] =	dma.local [hbm:s5], $0x2780  }
0x11: {  	_ =	swait.ge [sflag:s11], $0x2780  }
0x12: {  	[sflag:s11] =	ssyncset.done $0x0  }
0x13: {  	[sflag:s11] =	ssyncadd.s32 $0xFFFFD880  }
0x14: {  	s16 =	sadd.s32 $0x0, s9;
	[bflag:$0x0] =	sbarrier.arrive $0xFFFF  }
0x15: {  	[tilespmem:s3], [sflag:$0x2] =	stream.linear.gather [hbm4b:s16+s3], $0x100, $0x38;
	[tilespmem:$0x17D00] =	vst v63  }
0x16: {  	_ =	swait.ge [sflag:s11], $0x100  }
0x17: {  	[sflag:s11] =	ssyncset.done $0x0  }
0x18: {  	[sflag:s11] =	ssyncadd.s32 $0xFFFFFF00  }
0x19: {  	[tilespmem:s13], [sflag:$0x1] =	stream.indirect.gather [hbm4b:s4+s12], $0x80, s3, s12, $0xb8;
	[tilespmem:$0x17D00] =	vst v63  }
0x1a: {  	_ =	swait.ge [sflag:s14], $0x4000  }
0x1b: {  	[sflag:s14] =	ssyncset.done $0x0  }
0x1c: {  	[sflag:s14] =	ssyncadd.s32 $0xFFFFC000  }
0x1d: {  	[spmem:s2] =	stream.indirect.scatter.add.f32 [tilespmem:s13], [sflag:$0x2], $0x80, s12, s12, $0xb8;
	[tilespmem:$0x17D00] =	vst v63  }
0x1e: {  	_ =	swait.ge [sflag:s11], $0x4000  }
0x1f: {  	s17 =	simm.s32 $0x40;
	s16 =	simm.s32 $0x20;
	[sflag:s11] =	ssyncset.done $0x0  }
.LBB2_2:
0x20: {  	s18 =	sadd.s32 s16, s9  }
0x21: {  	[sflag:s11] =	ssyncadd.s32 $0xFFFFC000;
	s16 =	smov.u32 s17;
	s19 =	sadd.s32 $0x20, s17  }
0x22: {  	[tilespmem:s3], [sflag:$0x2] =	stream.linear.gather [hbm4b:s18+s3], $0x100, $0x38;
	[tilespmem:$0x17D00] =	vst v63  }
0x23: {  	p0 =	sne.s32 s17, $0x9C0;
	_ =	swait.ge [sflag:s11], $0x100  }
0x24: {  	[sflag:s11] =	ssyncset.done $0x0  }
0x25: {  	[sflag:s11] =	ssyncadd.s32 $0xFFFFFF00  }
0x26: {  	[tilespmem:s13], [sflag:$0x1] =	stream.indirect.gather [hbm4b:s4+s12], $0x80, s3, s12, $0xb8;
	[tilespmem:$0x17D00] =	vst v63  }
0x27: {  	_ =	swait.ge [sflag:s14], $0x4000  }
.Ltmp0:
0x28: {  	[sflag:s14] =	ssyncset.done $0x0;
	(pc) =	sbr.rel @p0 .LBB2_2-.Ltmp0, $4  }
0x29: {  	[sflag:s14] =	ssyncadd.s32 $0xFFFFC000  }
0x2a: {  	[spmem:s2] =	stream.indirect.scatter.add.f32 [tilespmem:s13], [sflag:$0x2], $0x80, s12, s12, $0xb8;
	[tilespmem:$0x17D00] =	vst v63  }
0x2b: {  	_ =	swait.ge [sflag:s11], $0x4000  }
0x2c: {  	s17 =	smov.u32 s19;
	[sflag:s11] =	ssyncset.done $0x0  }
0x2d: {  	s16 =	sadd.s32 s16, s9;
	[sflag:s11] =	ssyncadd.s32 $0xFFFFC000  }
0x2e: {  	[tilespmem:s3], [sflag:$0x2] =	stream.linear.gather [hbm4b:s16+s3], $0x100, $0x38;
	[tilespmem:$0x17D00] =	vst v63  }
0x2f: {  	_ =	swait.ge [sflag:s11], $0x100  }
0x30: {  	[sflag:s11] =	ssyncset.done $0x0  }
0x31: {  	[sflag:s11] =	ssyncadd.s32 $0xFFFFFF00  }
0x32: {  	[tilespmem:s13], [sflag:$0x1] =	stream.indirect.gather [hbm4b:s4+s12], $0x80, s3, s12, $0xb8;
	[tilespmem:$0x17D00] =	vst v63  }
0x33: {  	_ =	swait.ge [sflag:s14], $0x4000  }
0x34: {  	[sflag:s14] =	ssyncset.done $0x0  }
0x35: {  	[sflag:s14] =	ssyncadd.s32 $0xFFFFC000  }
0x36: {  	[spmem:s2] =	stream.indirect.scatter.add.f32 [tilespmem:s13], [sflag:$0x2], $0x80, s12, s12, $0xb8;
	[tilespmem:$0x17D00] =	vst v63  }
0x37: {  	_ =	swait.ge [sflag:s11], $0x4000  }
0x38: {  	s15 =	sadd.s32 $0x1, s15;
	[sflag:s11] =	ssyncset.done $0x0  }
0x39: {  	p0 =	sne.s32 s15, s8;
	[sflag:s11] =	ssyncadd.s32 $0xFFFFC000  }
.Ltmp1:
0x3a: {  	[bflag:$0x0] =	sbarrier.arrive $0xFFFF;
	(pc) =	sbr.rel @p0 .LBB2_1-.Ltmp1, $4  }
0x3b: {  	[hbm:s7], [sflag:s6] =	dma.local [spmem:s10], $0x2780  }
0x3c: {  	_ =	swait.ge [sflag:s11], $0x2780  }
0x3d: {  	[sflag:s11] =	ssyncset.done $0x0  }
0x3e: {  	[sflag:s11] =	ssyncadd.s32 $0xFFFFD880  }
0x3f: {  	_ =	sfence.sel $0x180000  }
0x40: {  	[bflag:$0x0] =	sbarrier.arrive $0xFFFF  }
0x41: {  	p0 =	sne.s32 s1, $0x0;
	_ =	strace $0x9000004D  }
0x42: {  	s0 =	sadd.s32 @!p0 $0x100000, s0;
	[bflag:$0x2] =	sbarrier.arrive $0xFFFF  }
0x43: {  	[sflag:s0] =	ssyncadd.tile.s32 @!p0 $0x1;
	_ =	shalt  }
.Lfunc_end2:
_tile_overlayer_lowered:
.L_overlay_start_2:
0x44: {  	(tag) =	ssettag $0x2  }
0x45: {  	s0 =	rddreg [dreg:$0x0];
	s2 =	stileid.u32  }
0x46: {  	s1 =	rddreg [dreg:$0x1];
	p0 =	sne.s32 s2, $0x0  }
0x47: {  	s3 =	rddreg [dreg:$0x2];
	[bflag:$0x3] =	sbarrier.arrive $0xFFFF;
	s2 =	simm.s32 @!p0 $0x1C02  }
0x48: {  	[timem:s3], [sflag:s2] =	dma.local @!p0 [hbm:s0], s1  }
0x49: {  	s0 =	simm.s32 @!p0 $0x2  }
0x4a: {  	_ =	swait.ge @!p0 [sflag:s0], s1  }
0x4b: {  	s1 =	ssub.s32 @!p0 $0x0, s1;
	[sflag:s0] =	ssyncset.done @!p0 $0x0  }
0x4c: {  	[sflag:s0] =	ssyncadd.s32 @!p0 s1  }
0x4d: {  	[bflag:$0x3] =	sbarrier.arrive $0xFFFF  }
0x4e: {  	_ =	shalt  }

// kernel: kernel.8.cloned.1.call-start
scs
__scs_entry_jumppad:
0x0: {  	(pc) =	sbr.rel $0x88, $3  }
0x1: {  	(tag) =	ssettag $0x0;
	lr =	simm.s32 $0x1  }
0x2: {  	[smem:$0x3F88] =	sst lr;
	_ =	strace $0xD0000000  }
0x3: {  	_ = 	snop  }
0x4: {  	_ = 	snop  }
0x5: {  	_ = 	snop  }
0x6: {  	_ = 	snop  }
0x7: {  	_ = 	snop  }
__scs_overlays_trampoline_lowered:
0x8: {  	[smem:$0x3F97] =	sst s0  }
0x9: {  	[smem:$0x3F98] =	sst s1  }
0xa: {  	[smem:$0x3F99] =	sst s2  }
0xb: {  	[smem:$0x3F9A] =	sst s3  }
0xc: {  	[smem:$0x3F9B] =	sst s4  }
0xd: {  	[smem:$0x3F9C] =	sst s5  }
0xe: {  	[smem:$0x3F9D] =	sst s6  }
0xf: {  	[smem:$0x3F9E] =	sst s7  }
0x10: {  	[smem:$0x3F9F] =	sst s8  }
0x11: {  	[smem:$0x3FA0] =	sst s9;
	s0 =	simm.s32 @!p0 $0x0  }
0x12: {  	s1 =	sld [smem:$0x3F86];
	s0 =	simm.s32 @p0 $0x1  }
0x13: {  	[smem:$0x3FA1] =	sst s0;
	s0 =	simm.s32 @!p1 $0x0  }
0x14: {  	s2 =	sld [smem:$0x3F85];
	s0 =	simm.s32 @p1 $0x1  }
0x15: {  	[smem:$0x3FA2] =	sst s0;
	s0 =	simm.s32 @!p2 $0x0  }
0x16: {  	s3 =	sld [smem:$0x3FDB];
	s0 =	simm.s32 @p2 $0x1  }
0x17: {  	s4 =	simm.s32 $0x1BF5;
	[smem:$0x3FA4] =	sst s0  }
0x18: {  	s0 =	sld [smem:$0x3F87];
	_ =	swait.ge [sflag:s4], $0x0  }
0x19: {  	s7 =	sld [smem:$0x3F88]  }
0x1a: {  	s8 =	sadd.s32 $0xFFFFE003, lr  }
0x1b: {  	s9 =	sadd.s32 $0xFFFFFEF7, lr;
	s5 =	simm.s32 $0xFFFFFFFF;
	p2 =	slt.u32 s8, $0xFFFFF086  }
0x1c: {  	p1 =	slt.u32 s9, $0xF7A;
	s5 =	simm.s32 @!p2 $0x0  }
0x1d: {  	s5 =	simm.s32 @p1 $0x1;
	p0 =	seq.s32 s7, s2  }
0x1e: {  	s7 =	smul.u32 @!p0 $0xF7A, s2;
	p2 =	seq.s32 @!p0 s5, $0x0  }
0x1f: {  	s9 =	smul.u32 $0xF7A, s1;
	s8 =	simm.s32 @!p0 $0x1BF5;
	p2 =	por !p2, p0  }
0x20: {  	[sflag:s8] =	ssyncset.s32 @!p0 $0xFFFFF086;
	s6 =	sadd.s32 @!p0 s3, s7;
	s7 =	simm.s32 @!p0 $0x108  }
0x21: {  	s3 =	sadd.s32 s3, s9;
	s6 =	sadd.s32 @!p0 $0x88, s6;
	s7 =	simm.s32 @p2 $0x1082  }
0x22: {  	[simem:s7], [sflag:s8] =	dma.local @!p0 [hbm:s6], $0xF7A  }
0x23: {  	s9 =	sor.u32 $0xD0000000, s2;
	s6 =	simm.s32 $0x108;
	_ =	swait.ge @!p0 [sflag:s8], $0x0  }
0x24: {  	s3 =	sadd.s32 $0x88, s3;
	s6 =	simm.s32 @!p1 $0x1082;
	[sflag:s4] =	ssyncset.s32 $0xFFFFF086  }
0x25: {  	[simem:s6], [sflag:s4] =	dma.local [hbm:s3], $0xF7A  }
0x26: {  	[smem:$0x3F88] =	sst s1;
	(tag) =	ssettag s2;
	_ =	strace s9  }
0x27: {  	s1 =	sld [smem:$0x3F98]  }
0x28: {  	s2 =	sld [smem:$0x3F99]  }
0x29: {  	s4 =	sld [smem:$0x3F9B]  }
0x2a: {  	p0 =	seq.s32 s5, $0x0;
	s5 =	sld [smem:$0x3F9C]  }
0x2b: {  	s6 =	sld [smem:$0x3F9D]  }
0x2c: {  	s7 =	sld [smem:$0x3F9E]  }
0x2d: {  	s3 =	simm.s32 $0x108;
	s8 =	sld [smem:$0x3F9F]  }
0x2e: {  	s3 =	simm.s32 @!p0 $0x1082;
	s9 =	sld [smem:$0x3FA0]  }
0x2f: {  	lr =	sadd.s32 s0, s3;
	s0 =	sld [smem:$0x3F97]  }
0x30: {  	s3 =	sld [smem:$0x3F9A]  }
0x31: {  	[smem:$0x3FA3] =	sst s10  }
0x32: {  	s10 =	sld [smem:$0x3FA1];
	_ =	sdelay $0x3  }
0x33: {  	p0 =	seq.s32 s10, $0x1;
	s10 =	sld [smem:$0x3FA3];
	_ =	sdelay $0x3  }
0x34: {  	[smem:$0x3FA3] =	sst s10  }
0x35: {  	s10 =	sld [smem:$0x3FA2];
	_ =	sdelay $0x3  }
0x36: {  	p1 =	seq.s32 s10, $0x1;
	s10 =	sld [smem:$0x3FA3];
	_ =	sdelay $0x3  }
0x37: {  	[smem:$0x3FA3] =	sst s10  }
0x38: {  	s10 =	sld [smem:$0x3FA4]  }
0x39: {  	_ = 	snop;
	(pc) =	sbr.ind lr, $3  }
0x3a: {  	_ = 	snop  }
0x3b: {  	_ = 	snop  }
0x3c: {  	p2 =	seq.s32 s10, $0x1;
	s10 =	sld [smem:$0x3FA3]  }
0x3d: {  	_ =	shalt  }
0x3e: {  	_ =	shalt  }
0x3f: {  	_ =	shalt  }
0x40: {  	_ =	shalt  }
0x41: {  	_ =	shalt  }
0x42: {  	_ =	shalt  }
0x43: {  	_ =	shalt  }
0x44: {  	_ =	shalt  }
0x45: {  	_ =	shalt  }
0x46: {  	_ =	shalt  }
0x47: {  	_ =	shalt  }
0x48: {  	_ =	shalt  }
0x49: {  	_ =	shalt  }
0x4a: {  	_ =	shalt  }
0x4b: {  	_ =	shalt  }
0x4c: {  	_ =	shalt  }
0x4d: {  	_ =	shalt  }
0x4e: {  	_ =	shalt  }
0x4f: {  	_ =	shalt  }
0x50: {  	_ =	shalt  }
0x51: {  	_ =	shalt  }
0x52: {  	_ =	shalt  }
0x53: {  	_ =	shalt  }
0x54: {  	_ =	shalt  }
0x55: {  	_ =	shalt  }
0x56: {  	_ =	shalt  }
0x57: {  	_ =	shalt  }
0x58: {  	_ =	shalt  }
0x59: {  	_ =	shalt  }
0x5a: {  	_ =	shalt  }
0x5b: {  	_ =	shalt  }
0x5c: {  	_ =	shalt  }
0x5d: {  	_ =	shalt  }
0x5e: {  	_ =	shalt  }
0x5f: {  	_ =	shalt  }
0x60: {  	_ =	shalt  }
0x61: {  	_ =	shalt  }
0x62: {  	_ =	shalt  }
0x63: {  	_ =	shalt  }
0x64: {  	_ =	shalt  }
0x65: {  	_ =	shalt  }
0x66: {  	_ =	shalt  }
0x67: {  	_ =	shalt  }
0x68: {  	_ =	shalt  }
0x69: {  	_ =	shalt  }
0x6a: {  	_ =	shalt  }
0x6b: {  	_ =	shalt  }
0x6c: {  	_ =	shalt  }
0x6d: {  	_ =	shalt  }
0x6e: {  	_ =	shalt  }
0x6f: {  	_ =	shalt  }
0x70: {  	_ =	shalt  }
0x71: {  	_ =	shalt  }
0x72: {  	_ =	shalt  }
0x73: {  	_ =	shalt  }
0x74: {  	_ =	shalt  }
0x75: {  	_ =	shalt  }
0x76: {  	_ =	shalt  }
0x77: {  	_ =	shalt  }
0x78: {  	_ =	shalt  }
0x79: {  	_ =	shalt  }
0x7a: {  	_ =	shalt  }
0x7b: {  	_ =	shalt  }
0x7c: {  	_ =	shalt  }
0x7d: {  	_ =	shalt  }
0x7e: {  	_ =	shalt  }
0x7f: {  	_ =	shalt  }
0x80: {  	_ =	shalt  }
0x81: {  	_ =	shalt  }
0x82: {  	_ =	shalt  }
0x83: {  	_ =	shalt  }
0x84: {  	_ =	shalt  }
0x85: {  	_ =	shalt  }
0x86: {  	_ =	shalt  }
0x87: {  	_ =	shalt  }
.Lfunc_end0:
.L_simem_size_0:
called_computation_lowered:
.L_overlay_start_0:
0x88: {  	s2 =	sld [smem:$0x3FD9]  }
0x89: {  	s3 =	sld [smem:$0x3FFE];
	_ =	sdelay $0x1  }
0x8a: {  	s1 =	srdreg.scid  }
0x8b: {  	s0 =	sand.u32 $0x1, s1  }
0x8c: {  	s17 =	sshll.u32 s0, $0xA;
	s2 =	sadd.s32 s3, s2  }
0x8d: {  	s2 =	sadd.s32 s2, s17  }
0x8e: {  	[smem:$0x3FAF] =	sst s2  }
0x8f: {  	_ = 	snop  }
0x90: {  	s2 =	sld [smem:$0x3FC9];
	(tm) =	ssettm $0x1  }
0x91: {  	s18 =	sld [smem:$0x3FFB];
	_ =	sdelay $0x3  }
0x92: {  	_ =	strace s18  }
0x93: {  	s3 =	sld [smem:$0x3FFC];
	_ =	sdelay $0x3  }
0x94: {  	_ =	strace s3  }
0x95: {  	s3 =	sld [smem:$0x3FFD];
	_ =	sdelay $0x3  }
0x96: {  	_ =	strace s3  }
0x97: {  	_ =	strace $0x8FFFFFFF  }
0x98: {  	s19 =	sld [smem:$0x3FDB];
	_ =	sdelay $0x1  }
0x99: {  	s4 =	simm.s32 $_scs_section_size  }
0x9a: {  	s5 =	simm.s32 $_size__tile_overlayer_lowered;
	s6 =	simm.s32 $_tile_overlayer_lowered  }
0x9b: {  	s22 =	simm.s32 $0x1BFF;
	s21 =	sshll.u32 s6, $0x1;
	s3 =	sadd.s32 s4, s19  }
0x9c: {  	s7 =	simm.s32 $0x0;
	s20 =	sshll.u32 s5, $0x1;
	s5 =	sadd.s32 s21, s3  }
0x9d: {  	[timem:s7], [sflag:s22] =	dma.local [hbm:s5], s20  }
0x9e: {  	_ =	swait.ge [sflag:s22], s20  }
0x9f: {  	s4 =	ssub.s32 $0x0, s20;
	[sflag:s22] =	ssyncset.done $0x0  }
0xa0: {  	[sflag:s22] =	ssyncadd.s32 s4;
	_ =	sdelay $0x1  }
0xa1: {  	s23 =	simm.s32 $0x1B8B  }
0xa2: {  	_ =	swait.ge [sflag:s23], $0x1  }
0xa3: {  	[sflag:s23] =	ssyncset.done $0x0  }
0xa4: {  	s25 =	simm.s32 $0x1B8E;
	s24 =	sld [smem:$0x3FFE];
	[sflag:s23] =	ssyncadd.s32 $0xFFFFFFFF  }
0xa5: {  	s26 =	simm.s32 $execute0_lowered;
	[smem:$0x3FD2] =	sst s25  }
0xa6: {  	s5 =	sshll.u32 s26, $0x1;
	_ =	strace $0x80000046;
	[dreg:$0x1] =	wrdreg $0xFFFFFFFF  }
0xa7: {  	s28 =	simm.s32 $_size_execute0_lowered;
	s3 =	sadd.s32 s3, s5;
	[dreg:$0x0] =	wrdreg $0x0  }
0xa8: {  	s5 =	sshll.u32 s28, $0x1;
	[dreg:$0x2] =	wrdreg s3  }
0xa9: {  	[dreg:$0x3] =	wrdreg s5  }
0xaa: {  	[dreg:$0x4] =	wrdreg $0xC0  }
0xab: {  	_ =	task [dreg:s7], $0x5FFFF  }
0xac: {  	[dreg:$0x1] =	wrdreg $0xFFFFFFFF  }
0xad: {  	[dreg:$0x0] =	wrdreg $0x60  }
0xae: {  	[dreg:$0x2] =	wrdreg s2  }
0xaf: {  	[dreg:$0x3] =	wrdreg s24  }
0xb0: {  	[dreg:$0x4] =	wrdreg $0x41000  }
0xb1: {  	[dreg:$0x5] =	wrdreg $0x9  }
0xb2: {  	_ =	task.clear_ibuf [dreg:s7], $0x6FFFF;
	_ =	strace $0x90000046  }
0xb3: {  	s29 =	simm.s32 $0x9;
	_ =	strace $0x80000048  }
0xb4: {  	_ =	swait.ge [sflag:s29], $0x1  }
0xb5: {  	[sflag:s29] =	ssyncadd.s32 $0xFFFFFFFF  }
0xb6: {  	_ =	strace $0x90000048  }
0xb7: {  	_ =	sfence  }
0xb8: {  	s30 =	sld [smem:$0x0];
	_ =	sdelay $0x2  }
0xb9: {  	s31 =	sshll.u32 s1, $0xD;
	s1 =	sshrl.u32 s1, $0x2  }
0xba: {  	s3 =	sand.u32 $0x4000, s31;
	s1 =	sadd.s32 s1, s30  }
0xbb: {  	s0 =	sor.u32 s3, s0;
	s1 =	sshll.u32 s1, $0x11  }
0xbc: {  	s0 =	sor.u32 s1, s0  }
0xbd: {  	s0 =	sadd.s32 $0x8F2B, s0  }
0xbe: {  	[sflag:s0] =	ssyncadd.remote.s32 $0x1  }
0xbf: {  	_ =	sfence.sel $0xFFFF  }
0xc0: {  	[dreg:$0x0] =	wrdreg $0xFFFFFFFF;
	(pc) =	sbr.abs _section_cstart, $3  }
0xc1: {  	[dreg:$0x1] =	wrdreg $0xFFFFFFFF  }
0xc2: {  	_ =	task.clear_ibuf [dreg:s7], $0x2FFFF;
	_ =	strace $0x9FFFFFFF  }
0xc3: {  	(tm) =	ssettm $0x7FFFFFFF  }
tec
execute0_lowered:
.L_overlay_start_1:
0x0: {  	(tag) =	ssettag $0x1  }
0x1: {  	s1 =	rddreg [dreg:$0x0]  }
0x2: {  	s5 =	rddreg [dreg:$0x1];
	s0 =	stileid.u32  }
0x3: {  	s2 =	srdreg.scid;
	s3 =	rddreg [dreg:$0x2];
	s4 =	simm.s32 $0x0  }
0x4: {  	s14 =	simm.s32 $0x1;
	s15 =	simm.s32 $0x0;
	s6 =	smul.u32 $0x13C0, s0  }
0x5: {  	s7 =	smul.u32 $0x13C00, s0;
	s8 =	sand.u32 $0x1, s2;
	s2 =	rddreg [dreg:$0x3]  }
0x6: {  	[smem:$0x7FF] =	sst s4;
	s26 =	smul.u32 $0x4F000, s0;
	s30 =	sshll.u32 s0, $0x6  }
0x7: {  	s9 =	smul.u32 $0x13C000, s8;
	_ =	strace $0x80000047;
	s28 =	ssub.s32 $0x2, s8  }
0x8: {  	s8 =	smul.u32 $0x9E0, s8;
	s10 =	sadd.s32 s6, s5;
	s29 =	sshrl.u32 s28, $0x1  }
0x9: {  	s25 =	sadd.s32 s7, s9;
	s7 =	sshrl.u32 s7, $0x3;
	s9 =	sshrl.u32 s26, $0x2  }
0xa: {  	s12 =	ssub.s32 s28, s29;
	s31 =	sadd.s32 s8, s10;
	s6 =	sshrl.u32 s25, $0x3  }
0xb: {  	s7 =	sadd.s32 s7, s5;
	s13 =	sadd.s32 s9, s3;
	s8 =	smax.u32 s12, $0x1  }
0xc: {  	s9 =	sadd.s32 $0x4800, s31;
	s12 =	simm.s32 $0x80;
	s11 =	sadd.s32 s6, s5  }
0xd: {  	s5 =	sadd.s32 $0x18400, s7;
	s6 =	sor.u32 $0x1C02, s30;
	s10 =	sshrl.u32 s13, $0x3  }
0xe: {  	s13 =	simm.s32 $0x100;
	s7 =	sadd.s32 $0x3FC00, s11;
	s11 =	simm.s32 $0x2  }
.LBB2_1:
0xf: {  	[spmem:s10], [sflag:s6] =	dma.local [hbm:s5], $0x2780  }
0x10: {  	_ =	swait.ge [sflag:s11], $0x2780  }
0x11: {  	[sflag:s11] =	ssyncset.done $0x0  }
0x12: {  	[sflag:s11] =	ssyncadd.s32 $0xFFFFD880  }
0x13: {  	s16 =	sadd.s32 $0x0, s9;
	[bflag:$0x0] =	sbarrier.arrive $0xFFFF  }
0x14: {  	[tilespmem:s4], [sflag:$0x2] =	stream.linear.gather [hbm4b:s16+s4], $0x100, $0x38;
	[tilespmem:$0x17D00] =	vst v63  }
0x15: {  	_ =	swait.ge [sflag:s11], $0x100  }
0x16: {  	[sflag:s11] =	ssyncset.done $0x0  }
0x17: {  	[sflag:s11] =	ssyncadd.s32 $0xFFFFFF00  }
0x18: {  	[tilespmem:s13], [sflag:$0x1] =	stream.indirect.gather [hbm4b:s1+s12], $0x80, s4, s12, $0xb8;
	[tilespmem:$0x17D00] =	vst v63  }
0x19: {  	_ =	swait.ge [sflag:s14], $0x4000  }
0x1a: {  	[sflag:s14] =	ssyncset.done $0x0  }
0x1b: {  	[sflag:s14] =	ssyncadd.s32 $0xFFFFC000  }
0x1c: {  	[spmem:s3] =	stream.indirect.scatter.add.f32 [tilespmem:s13], [sflag:$0x2], $0x80, s12, s12, $0xb8;
	[tilespmem:$0x17D00] =	vst v63  }
0x1d: {  	_ =	swait.ge [sflag:s11], $0x4000  }
0x1e: {  	s17 =	simm.s32 $0x40;
	s16 =	simm.s32 $0x20;
	[sflag:s11] =	ssyncset.done $0x0  }
.LBB2_2:
0x1f: {  	s18 =	sadd.s32 s16, s9  }
0x20: {  	[sflag:s11] =	ssyncadd.s32 $0xFFFFC000;
	s16 =	smov.u32 s17;
	s19 =	sadd.s32 $0x20, s17  }
0x21: {  	[tilespmem:s4], [sflag:$0x2] =	stream.linear.gather [hbm4b:s18+s4], $0x100, $0x38;
	[tilespmem:$0x17D00] =	vst v63  }
0x22: {  	p0 =	sne.s32 s17, $0x9C0;
	_ =	swait.ge [sflag:s11], $0x100  }
0x23: {  	[sflag:s11] =	ssyncset.done $0x0  }
0x24: {  	[sflag:s11] =	ssyncadd.s32 $0xFFFFFF00  }
0x25: {  	[tilespmem:s13], [sflag:$0x1] =	stream.indirect.gather [hbm4b:s1+s12], $0x80, s4, s12, $0xb8;
	[tilespmem:$0x17D00] =	vst v63  }
0x26: {  	_ =	swait.ge [sflag:s14], $0x4000  }
.Ltmp0:
0x27: {  	[sflag:s14] =	ssyncset.done $0x0;
	(pc) =	sbr.rel @p0 .LBB2_2-.Ltmp0, $4  }
0x28: {  	[sflag:s14] =	ssyncadd.s32 $0xFFFFC000  }
0x29: {  	[spmem:s3] =	stream.indirect.scatter.add.f32 [tilespmem:s13], [sflag:$0x2], $0x80, s12, s12, $0xb8;
	[tilespmem:$0x17D00] =	vst v63  }
0x2a: {  	_ =	swait.ge [sflag:s11], $0x4000  }
0x2b: {  	s17 =	smov.u32 s19;
	[sflag:s11] =	ssyncset.done $0x0  }
0x2c: {  	s16 =	sadd.s32 s16, s9;
	[sflag:s11] =	ssyncadd.s32 $0xFFFFC000  }
0x2d: {  	[tilespmem:s4], [sflag:$0x2] =	stream.linear.gather [hbm4b:s16+s4], $0x100, $0x38;
	[tilespmem:$0x17D00] =	vst v63  }
0x2e: {  	_ =	swait.ge [sflag:s11], $0x100  }
0x2f: {  	[sflag:s11] =	ssyncset.done $0x0  }
0x30: {  	[sflag:s11] =	ssyncadd.s32 $0xFFFFFF00  }
0x31: {  	[tilespmem:s13], [sflag:$0x1] =	stream.indirect.gather [hbm4b:s1+s12], $0x80, s4, s12, $0xb8;
	[tilespmem:$0x17D00] =	vst v63  }
0x32: {  	_ =	swait.ge [sflag:s14], $0x4000  }
0x33: {  	[sflag:s14] =	ssyncset.done $0x0  }
0x34: {  	[sflag:s14] =	ssyncadd.s32 $0xFFFFC000  }
0x35: {  	[spmem:s3] =	stream.indirect.scatter.add.f32 [tilespmem:s13], [sflag:$0x2], $0x80, s12, s12, $0xb8;
	[tilespmem:$0x17D00] =	vst v63  }
0x36: {  	_ =	swait.ge [sflag:s11], $0x4000  }
0x37: {  	s15 =	sadd.s32 $0x1, s15;
	[sflag:s11] =	ssyncset.done $0x0  }
0x38: {  	p0 =	sne.s32 s15, s8;
	[sflag:s11] =	ssyncadd.s32 $0xFFFFC000  }
.Ltmp1:
0x39: {  	[bflag:$0x0] =	sbarrier.arrive $0xFFFF;
	(pc) =	sbr.rel @p0 .LBB2_1-.Ltmp1, $4  }
0x3a: {  	[hbm:s7], [sflag:s6] =	dma.local [spmem:s10], $0x2780  }
0x3b: {  	_ =	swait.ge [sflag:s11], $0x2780  }
0x3c: {  	[sflag:s11] =	ssyncset.done $0x0  }
0x3d: {  	[sflag:s11] =	ssyncadd.s32 $0xFFFFD880  }
0x3e: {  	_ =	sfence.sel $0x180000  }
0x3f: {  	[bflag:$0x0] =	sbarrier.arrive $0xFFFF  }
0x40: {  	p0 =	sne.s32 s0, $0x0;
	_ =	strace $0x90000047  }
0x41: {  	s0 =	sadd.s32 @!p0 $0x100000, s2;
	[bflag:$0x2] =	sbarrier.arrive $0xFFFF  }
0x42: {  	[sflag:s0] =	ssyncadd.tile.s32 @!p0 $0x1;
	_ =	shalt  }
.Lfunc_end2:
_tile_overlayer_lowered:
.L_overlay_start_2:
0x43: {  	(tag) =	ssettag $0x2  }
0x44: {  	s0 =	rddreg [dreg:$0x0];
	s2 =	stileid.u32  }
0x45: {  	s1 =	rddreg [dreg:$0x1];
	p0 =	sne.s32 s2, $0x0  }
0x46: {  	s3 =	rddreg [dreg:$0x2];
	[bflag:$0x3] =	sbarrier.arrive $0xFFFF;
	s2 =	simm.s32 @!p0 $0x1C02  }
0x47: {  	[timem:s3], [sflag:s2] =	dma.local @!p0 [hbm:s0], s1  }
0x48: {  	s0 =	simm.s32 @!p0 $0x2  }
0x49: {  	_ =	swait.ge @!p0 [sflag:s0], s1  }
0x4a: {  	s1 =	ssub.s32 @!p0 $0x0, s1;
	[sflag:s0] =	ssyncset.done @!p0 $0x0  }
0x4b: {  	[sflag:s0] =	ssyncadd.s32 @!p0 s1  }
0x4c: {  	[bflag:$0x3] =	sbarrier.arrive $0xFFFF  }
0x4d: {  	_ =	shalt  }

</sc_bundles>
